<compile_context>
chip_gen: v7x
topology: tpu7x:2x2x1
jax: 0.10.2.dev20260603
libtpu: 0.0.44.dev20260713+nightly
codegen_flags: <defaults>
</compile_context>

<pallas_src>
import functools

import jax
import jax.numpy as jnp
from jax import lax
from jax.experimental import pallas as pl
from jax.experimental.pallas import tpu as pltpu
from jax.experimental.pallas import tpu_sc as plsc

B = 4096
D = 50
DP = 128
NTAB = 13
NF = 2 * NTAB
NUM = 13
NW = 32
BPW = B // NW
BN_EPS = 1e-5


def _sc_gather_body(small_hbm, big_hbm, idx_hbm, x_hbm, idxs_v,
                    rows0_v, rows1_v, sem0, sem1):
    c = lax.axis_index("c")
    s = lax.axis_index("s")
    wid = s * 2 + c
    base = wid * BPW
    rows = (rows0_v, rows1_v)
    sems = (sem0, sem1)
    pltpu.sync_copy(idx_hbm.at[:, pl.ds(base, BPW)], idxs_v)

    def start(f):
        tbl = small_hbm if f < NTAB else big_hbm
        pltpu.async_copy(tbl.at[idxs_v.at[f]], rows[f % 2], sems[f % 2])

    start(0)
    for f in range(NF):
        if f + 1 < NF:
            start(f + 1)
        pltpu.make_async_copy(
            small_hbm.at[pl.ds(0, BPW)], rows[f % 2], sems[f % 2]).wait()
        pltpu.sync_copy(rows[f % 2], x_hbm.at[f, pl.ds(base, BPW), :])


@jax.jit
def _sc_gather(small_p, big_p, idx2):
    mesh = plsc.VectorSubcoreMesh(core_axis_name="c", subcore_axis_name="s")
    return pl.kernel(
        _sc_gather_body,
        out_type=jax.ShapeDtypeStruct((NF, B, DP), jnp.float32),
        mesh=mesh,
        scratch_types=[
            pltpu.VMEM((NF, BPW), jnp.int32),
            pltpu.VMEM((BPW, DP), jnp.float32),
            pltpu.VMEM((BPW, DP), jnp.float32),
            pltpu.SemaphoreType.DMA,
            pltpu.SemaphoreType.DMA,
        ],
    )(small_p, big_p, idx2)


def _pad_tables(emb_t, vocab, chunk):
    nc = -(-vocab // chunk)

    def body(src_ref, o_ref):
        x = src_ref[0]
        o_ref[:, :D] = x.T
        o_ref[:, D:] = jnp.zeros((chunk, DP - D), jnp.float32)

    return pl.pallas_call(
        body,
        grid=(NTAB, nc),
        in_specs=[pl.BlockSpec((1, D, chunk), lambda t, c: (t, 0, c))],
        out_specs=pl.BlockSpec((chunk, DP), lambda t, c: (t * nc + c, 0)),
        out_shape=jax.ShapeDtypeStruct((NTAB * nc * chunk, DP), jnp.float32),
    )(emb_t)


def _mlp_body(x_ref, num_ref, w1_ref, w1n_ref, b1_ref, w2_ref, b2_ref,
              w3_ref, b3_ref, w4_ref, b4_ref, o_ref):
    h = jnp.dot(num_ref[...], w1n_ref[...], preferred_element_type=jnp.float32)
    for f in range(NF):
        h += jnp.dot(x_ref[f].astype(jnp.bfloat16), w1_ref[f],
                     preferred_element_type=jnp.float32)
    h = jnp.maximum(h + b1_ref[...], 0.0).astype(jnp.bfloat16)
    h = jnp.dot(h, w2_ref[...], preferred_element_type=jnp.float32)
    h = jnp.maximum(h + b2_ref[...], 0.0).astype(jnp.bfloat16)
    h = jnp.dot(h, w3_ref[...], preferred_element_type=jnp.float32)
    h = jnp.maximum(h + b3_ref[...], 0.0).astype(jnp.bfloat16)
    o_ref[...] = (jnp.dot(h, w4_ref[...], preferred_element_type=jnp.float32)
                  + b4_ref[...])


def _mlp(x3, num, w1p, w1n, b1, w2t, b2, w3t, b3, w4t, b4):
    bb = 512
    grid = (B // bb,)
    full2 = lambda a: pl.BlockSpec(a.shape, lambda i: (0, 0))
    full3 = lambda a: pl.BlockSpec(a.shape, lambda i: (0, 0, 0))
    return pl.pallas_call(
        _mlp_body,
        grid=grid,
        in_specs=[
            pl.BlockSpec((NF, bb, DP), lambda i: (0, i, 0)),
            pl.BlockSpec((bb, NUM), lambda i: (i, 0)),
            full3(w1p), full2(w1n), full2(b1),
            full2(w2t), full2(b2), full2(w3t), full2(b3),
            full2(w4t), full2(b4),
        ],
        out_specs=pl.BlockSpec((bb, 1), lambda i: (i, 0)),
        out_shape=jax.ShapeDtypeStruct((B, 1), jnp.float32),
    )(x3, num, w1p, w1n, b1, w2t, b2, w3t, b3, w4t, b4)


def kernel(cat_features, num_features, emb_small, emb_big,
           W1, b1, gamma, beta, W2, b2, W3, b3, W4, b4):
    small_p = _pad_tables(emb_small.transpose(0, 2, 1), 1000, 1000)
    big_p = _pad_tables(emb_big.transpose(0, 2, 1), 100000, 25600)

    offs_small = (jnp.arange(NTAB, dtype=jnp.int32) * 1000)[:, None]
    offs_big = (jnp.arange(NTAB, dtype=jnp.int32) * 102400)[:, None]
    cat_t = cat_features.T.astype(jnp.int32)
    idx2 = jnp.concatenate(
        [cat_t[:NTAB] + offs_small, cat_t[NTAB:] + offs_big], axis=0)

    scale = gamma / jnp.sqrt(1.0 + BN_EPS)
    w2f = (W2 * scale[None, :]).T.astype(jnp.bfloat16)
    b2f = b2 + W2 @ beta

    w1p = jnp.pad(W1[:, :NF * D].T.reshape(NF, D, 512).astype(jnp.bfloat16),
                  [(0, 0), (0, DP - D), (0, 0)])
    w1n = W1[:, NF * D:].T.astype(jnp.bfloat16)

    x3 = _sc_gather(small_p, big_p, idx2)
    out = _mlp(x3, num_features.astype(jnp.bfloat16), w1p, w1n,
               b1[None, :], w2f, b2f[None, :],
               W3.T.astype(jnp.bfloat16), b3[None, :],
               W4.T.astype(jnp.bfloat16), b4[None, :])
    return out[:, 0]

# --- scband reference (transcript-rebuilt; emitter-appended) ---
"""Pipeline reference for scband-mlpwith-embeddings-18683107737841 (READ-ONLY COPY).

The authoritative reference and input builder live on the scoring server;
editing this copy changes nothing except your own understanding.
"""

import jax, jax.numpy as jnp
import numpy as np

BN_EPS = 1e-5

def setup_inputs(seed: int = 0):
    key = jax.random.key(seed)
    ks = jax.random.split(key, 16)
    cat_features = jax.random.randint(ks[0], (4096, 26), 0, 1000)
    num_features = jax.random.normal(ks[1], (4096, 13), dtype=jnp.float32)
    # 26 embedding tables, all emb_dim = min(50, card//2+1) = 50
    emb_small = jax.random.normal(ks[2], (13, 1000, 50), dtype=jnp.float32) * 0.01
    emb_big = jax.random.normal(ks[3], (13, 100000, 50), dtype=jnp.float32) * 0.01
    def kaiming(k, shape):
        return jax.random.normal(k, shape, dtype=jnp.float32) * np.sqrt(2.0 / shape[1])
    W1 = kaiming(ks[4], (512, 1313)); b1 = jnp.zeros((512,), jnp.float32)
    gamma = jnp.ones((512,), jnp.float32); beta = jnp.zeros((512,), jnp.float32)
    W2 = kaiming(ks[5], (256, 512)); b2 = jnp.zeros((256,), jnp.float32)
    W3 = kaiming(ks[6], (128, 256)); b3 = jnp.zeros((128,), jnp.float32)
    W4 = kaiming(ks[7], (1, 128)); b4 = jnp.zeros((1,), jnp.float32)
    return {"cat_features": cat_features, "num_features": num_features,
            "emb_small": emb_small, "emb_big": emb_big,
            "W1": W1, "b1": b1, "gamma": gamma, "beta": beta,
            "W2": W2, "b2": b2, "W3": W3, "b3": b3, "W4": W4, "b4": b4}

def reference(cat_features, num_features, emb_small, emb_big, W1, b1, gamma, beta, W2, b2, W3, b3, W4, b4):
    # Entity embedding lookups (one table per categorical field), concatenated in field order
    embs = [emb_small[i][cat_features[:, i]] for i in range(13)]
    embs += [emb_big[i][cat_features[:, 13 + i]] for i in range(13)]
    x = jnp.concatenate(embs + [num_features], axis=1)  # (B, 1313)
    # Linear -> ReLU -> BatchNorm1d (eval mode: running_mean=0, running_var=1) -> Dropout(eval: identity)
    h = x @ W1.T + b1
    h = jax.nn.relu(h)
    h = (h - 0.0) / jnp.sqrt(1.0 + BN_EPS) * gamma + beta
    h = jax.nn.relu(h @ W2.T + b2)
    h = jax.nn.relu(h @ W3.T + b3)
    out = h @ W4.T + b4
    return out.squeeze(-1)

if __name__ == "__main__":
    import jax
    _d = setup_inputs()
    print(jax.jit(kernel)(*tuple(_d.values())))

</pallas_src>

<mosaic_0001>
#map = affine_map<(d0, d1) -> (0, 0)>
#map1 = affine_map<(d0, d1) -> (0, 0, 0)>
module attributes {stable_mosaic.version = 14 : i64} {
  func.func @_sc_gather_body(%arg0: i32, %arg1: i32, %arg2: memref<13000x128xf32, #tpu.memory_space<hbm>>, %arg3: memref<1331200x128xf32, #tpu.memory_space<hbm>>, %arg4: memref<26x4096xi32, #tpu.memory_space<hbm>>, %arg5: memref<26x4096x128xf32, #tpu.memory_space<hbm>>, %arg6: memref<26x128xi32, #tpu.memory_space<vmem>>, %arg7: memref<128x128xf32, #tpu.memory_space<vmem>>, %arg8: memref<128x128xf32, #tpu.memory_space<vmem>>, %arg9: memref<!tpu.dma_semaphore, #tpu.memory_space<semaphore_mem>>, %arg10: memref<!tpu.dma_semaphore, #tpu.memory_space<semaphore_mem>>) attributes {dimension_semantics = [#tpu.dimension_semantics<core_parallel>, #tpu.dimension_semantics<subcore_parallel>], iteration_bounds = array<i64: 2, 16>, scalar_prefetch = 0 : i64, scratch_operands = 5 : i64, tpu.core_type = #tpu.core_type<sc_vector_subcore>, window_params = [{transform_indices = #map}, {transform_indices = #map}, {transform_indices = #map}, {transform_indices = #map1}]} {
    %mul3A = arith.constant 2 : i32
    %mul3A_0 = arith.muli %arg1, %mul3A : i32
    %add3A = arith.addi %mul3A_0, %arg0 : i32
    %mul3A_1 = arith.constant 128 : i32
    %mul3A_2 = arith.muli %add3A, %mul3A_1 : i32
    "tpu.region"() ({
      %run_scoped3A_364 = tpu.sem_alloc : memref<!tpu.dma_semaphore, #tpu.memory_space<semaphore_mem>>
      %dma_start3A_365 = arith.constant 0 : i32
      %dma_start3A_366 = tpu.memref_slice %arg4[%dma_start3A_365, %mul3A_2] : memref<26x4096xi32, #tpu.memory_space<hbm>> -> memref<26x128xi32, #tpu.memory_space<hbm>>
      %dma_start3A_367 = arith.constant 0 : i32
      %dma_start3A_368 = tpu.memref_slice %arg4[%dma_start3A_367, %mul3A_2] : memref<26x4096xi32, #tpu.memory_space<hbm>> -> memref<26x128xi32, #tpu.memory_space<hbm>>
      tpu.enqueue_dma source(%dma_start3A_368 : memref<26x128xi32, #tpu.memory_space<hbm>>) target(%arg6 : memref<26x128xi32, #tpu.memory_space<vmem>>) target_semaphore(%run_scoped3A_364 : memref<!tpu.dma_semaphore, #tpu.memory_space<semaphore_mem>>)
      %dma_wait3A_369 = arith.constant 0 : i32
      %dma_wait3A_370 = tpu.memref_slice %arg4[%dma_wait3A_369, %mul3A_2] : memref<26x4096xi32, #tpu.memory_space<hbm>> -> memref<26x128xi32, #tpu.memory_space<hbm>>
      %dma_wait3A_371 = arith.constant 0 : i32
      %dma_wait3A_372 = tpu.memref_slice %arg4[%dma_wait3A_371, %mul3A_2] : memref<26x4096xi32, #tpu.memory_space<hbm>> -> memref<26x128xi32, #tpu.memory_space<hbm>>
      tpu.wait_dma2 semaphore(%run_scoped3A_364 : memref<!tpu.dma_semaphore, #tpu.memory_space<semaphore_mem>>) src(%dma_wait3A_372 : memref<26x128xi32, #tpu.memory_space<hbm>>) dst(%arg6 : memref<26x128xi32, #tpu.memory_space<vmem>>)
      tpu.yield
    }) : () -> ()
    %dma_start3A = arith.constant 0 : i32
    %dma_start3A_3 = arith.constant 0 : i32
    %dma_start3A_4 = tpu.memref_slice %arg6[%dma_start3A, %dma_start3A_3] : memref<26x128xi32, #tpu.memory_space<vmem>> -> memref<1x128xi32, #tpu.memory_space<vmem>>
    %dma_start3A_5 = tpu.memref_squeeze %dma_start3A_4 : memref<1x128xi32, #tpu.memory_space<vmem>> -> memref<128xi32, #tpu.memory_space<vmem>>
    %dma_start3A_6 = arith.constant 0 : i32
    %dma_start3A_7 = arith.constant 0 : i32
    %dma_start3A_8 = tpu.memref_slice %arg2[%dma_start3A_6, %dma_start3A_7] : memref<13000x128xf32, #tpu.memory_space<hbm>> -> memref<13000x128xf32, #tpu.memory_space<hbm>>
    tpu.enqueue_indirect_dma source(%dma_start3A_8 : memref<13000x128xf32, #tpu.memory_space<hbm>>) target(%arg7 : memref<128x128xf32, #tpu.memory_space<vmem>>) offsets(%dma_start3A_5 : memref<128xi32, #tpu.memory_space<vmem>>) semaphore(%arg9 : memref<!tpu.dma_semaphore, #tpu.memory_space<semaphore_mem>>)
    %dma_start3A_9 = arith.constant 1 : i32
    %dma_start3A_10 = arith.constant 0 : i32
    %dma_start3A_11 = tpu.memref_slice %arg6[%dma_start3A_9, %dma_start3A_10] : memref<26x128xi32, #tpu.memory_space<vmem>> -> memref<1x128xi32, #tpu.memory_space<vmem>>
    %dma_start3A_12 = tpu.memref_squeeze %dma_start3A_11 : memref<1x128xi32, #tpu.memory_space<vmem>> -> memref<128xi32, #tpu.memory_space<vmem>>
    %dma_start3A_13 = arith.constant 0 : i32
    %dma_start3A_14 = arith.constant 0 : i32
    %dma_start3A_15 = tpu.memref_slice %arg2[%dma_start3A_13, %dma_start3A_14] : memref<13000x128xf32, #tpu.memory_space<hbm>> -> memref<13000x128xf32, #tpu.memory_space<hbm>>
    tpu.enqueue_indirect_dma source(%dma_start3A_15 : memref<13000x128xf32, #tpu.memory_space<hbm>>) target(%arg8 : memref<128x128xf32, #tpu.memory_space<vmem>>) offsets(%dma_start3A_12 : memref<128xi32, #tpu.memory_space<vmem>>) semaphore(%arg10 : memref<!tpu.dma_semaphore, #tpu.memory_space<semaphore_mem>>)
    %dma_wait3A = arith.constant 0 : i32
    %dma_wait3A_16 = arith.constant 0 : i32
    %dma_wait3A_17 = tpu.memref_slice %arg2[%dma_wait3A, %dma_wait3A_16] : memref<13000x128xf32, #tpu.memory_space<hbm>> -> memref<128x128xf32, #tpu.memory_space<hbm>>
    %dma_wait3A_18 = arith.constant 0 : i32
    %dma_wait3A_19 = arith.constant 0 : i32
    %dma_wait3A_20 = tpu.memref_slice %arg2[%dma_wait3A_18, %dma_wait3A_19] : memref<13000x128xf32, #tpu.memory_space<hbm>> -> memref<128x128xf32, #tpu.memory_space<hbm>>
    tpu.wait_dma2 semaphore(%arg9 : memref<!tpu.dma_semaphore, #tpu.memory_space<semaphore_mem>>) src(%dma_wait3A_20 : memref<128x128xf32, #tpu.memory_space<hbm>>) dst(%arg7 : memref<128x128xf32, #tpu.memory_space<vmem>>)
    %run_scoped3A = arith.constant 0 : i32
    "tpu.region"() ({
      %run_scoped3A_364 = tpu.sem_alloc : memref<!tpu.dma_semaphore, #tpu.memory_space<semaphore_mem>>
      %dma_start3A_365 = arith.constant 0 : i32
      %dma_start3A_366 = tpu.memref_slice %arg5[%run_scoped3A, %mul3A_2, %dma_start3A_365] : memref<26x4096x128xf32, #tpu.memory_space<hbm>> -> memref<1x128x128xf32, #tpu.memory_space<hbm>>
      %dma_start3A_367 = tpu.memref_squeeze %dma_start3A_366 : memref<1x128x128xf32, #tpu.memory_space<hbm>> -> memref<128x128xf32, #tpu.memory_space<hbm>>
      %dma_start3A_368 = arith.constant 0 : i32
      %dma_start3A_369 = tpu.memref_slice %arg5[%run_scoped3A, %mul3A_2, %dma_start3A_368] : memref<26x4096x128xf32, #tpu.memory_space<hbm>> -> memref<1x128x128xf32, #tpu.memory_space<hbm>>
      %dma_start3A_370 = tpu.memref_squeeze %dma_start3A_369 : memref<1x128x128xf32, #tpu.memory_space<hbm>> -> memref<128x128xf32, #tpu.memory_space<hbm>>
      tpu.enqueue_dma source(%arg7 : memref<128x128xf32, #tpu.memory_space<vmem>>) target(%dma_start3A_370 : memref<128x128xf32, #tpu.memory_space<hbm>>) target_semaphore(%run_scoped3A_364 : memref<!tpu.dma_semaphore, #tpu.memory_space<semaphore_mem>>)
      %dma_wait3A_371 = arith.constant 0 : i32
      %dma_wait3A_372 = tpu.memref_slice %arg5[%run_scoped3A, %mul3A_2, %dma_wait3A_371] : memref<26x4096x128xf32, #tpu.memory_space<hbm>> -> memref<1x128x128xf32, #tpu.memory_space<hbm>>
      %dma_wait3A_373 = tpu.memref_squeeze %dma_wait3A_372 : memref<1x128x128xf32, #tpu.memory_space<hbm>> -> memref<128x128xf32, #tpu.memory_space<hbm>>
      %dma_wait3A_374 = arith.constant 0 : i32
      %dma_wait3A_375 = tpu.memref_slice %arg5[%run_scoped3A, %mul3A_2, %dma_wait3A_374] : memref<26x4096x128xf32, #tpu.memory_space<hbm>> -> memref<1x128x128xf32, #tpu.memory_space<hbm>>
      %dma_wait3A_376 = tpu.memref_squeeze %dma_wait3A_375 : memref<1x128x128xf32, #tpu.memory_space<hbm>> -> memref<128x128xf32, #tpu.memory_space<hbm>>
      tpu.wait_dma2 semaphore(%run_scoped3A_364 : memref<!tpu.dma_semaphore, #tpu.memory_space<semaphore_mem>>) src(%arg7 : memref<128x128xf32, #tpu.memory_space<vmem>>) dst(%dma_wait3A_376 : memref<128x128xf32, #tpu.memory_space<hbm>>)
      tpu.yield
    }) : () -> ()
    %dma_start3A_21 = arith.constant 2 : i32
    %dma_start3A_22 = arith.constant 0 : i32
    %dma_start3A_23 = tpu.memref_slice %arg6[%dma_start3A_21, %dma_start3A_22] : memref<26x128xi32, #tpu.memory_space<vmem>> -> memref<1x128xi32, #tpu.memory_space<vmem>>
    %dma_start3A_24 = tpu.memref_squeeze %dma_start3A_23 : memref<1x128xi32, #tpu.memory_space<vmem>> -> memref<128xi32, #tpu.memory_space<vmem>>
    %dma_start3A_25 = arith.constant 0 : i32
    %dma_start3A_26 = arith.constant 0 : i32
    %dma_start3A_27 = tpu.memref_slice %arg2[%dma_start3A_25, %dma_start3A_26] : memref<13000x128xf32, #tpu.memory_space<hbm>> -> memref<13000x128xf32, #tpu.memory_space<hbm>>
    tpu.enqueue_indirect_dma source(%dma_start3A_27 : memref<13000x128xf32, #tpu.memory_space<hbm>>) target(%arg7 : memref<128x128xf32, #tpu.memory_space<vmem>>) offsets(%dma_start3A_24 : memref<128xi32, #tpu.memory_space<vmem>>) semaphore(%arg9 : memref<!tpu.dma_semaphore, #tpu.memory_space<semaphore_mem>>)
    %dma_wait3A_28 = arith.constant 0 : i32
    %dma_wait3A_29 = arith.constant 0 : i32
    %dma_wait3A_30 = tpu.memref_slice %arg2[%dma_wait3A_28, %dma_wait3A_29] : memref<13000x128xf32, #tpu.memory_space<hbm>> -> memref<128x128xf32, #tpu.memory_space<hbm>>
    %dma_wait3A_31 = arith.constant 0 : i32
    %dma_wait3A_32 = arith.constant 0 : i32
    %dma_wait3A_33 = tpu.memref_slice %arg2[%dma_wait3A_31, %dma_wait3A_32] : memref<13000x128xf32, #tpu.memory_space<hbm>> -> memref<128x128xf32, #tpu.memory_space<hbm>>
    tpu.wait_dma2 semaphore(%arg10 : memref<!tpu.dma_semaphore, #tpu.memory_space<semaphore_mem>>) src(%dma_wait3A_33 : memref<128x128xf32, #tpu.memory_space<hbm>>) dst(%arg8 : memref<128x128xf32, #tpu.memory_space<vmem>>)
    %run_scoped3A_34 = arith.constant 1 : i32
    "tpu.region"() ({
      %run_scoped3A_364 = tpu.sem_alloc : memref<!tpu.dma_semaphore, #tpu.memory_space<semaphore_mem>>
      %dma_start3A_365 = arith.constant 0 : i32
      %dma_start3A_366 = tpu.memref_slice %arg5[%run_scoped3A_34, %mul3A_2, %dma_start3A_365] : memref<26x4096x128xf32, #tpu.memory_space<hbm>> -> memref<1x128x128xf32, #tpu.memory_space<hbm>>
      %dma_start3A_367 = tpu.memref_squeeze %dma_start3A_366 : memref<1x128x128xf32, #tpu.memory_space<hbm>> -> memref<128x128xf32, #tpu.memory_space<hbm>>
      %dma_start3A_368 = arith.constant 0 : i32
      %dma_start3A_369 = tpu.memref_slice %arg5[%run_scoped3A_34, %mul3A_2, %dma_start3A_368] : memref<26x4096x128xf32, #tpu.memory_space<hbm>> -> memref<1x128x128xf32, #tpu.memory_space<hbm>>
      %dma_start3A_370 = tpu.memref_squeeze %dma_start3A_369 : memref<1x128x128xf32, #tpu.memory_space<hbm>> -> memref<128x128xf32, #tpu.memory_space<hbm>>
      tpu.enqueue_dma source(%arg8 : memref<128x128xf32, #tpu.memory_space<vmem>>) target(%dma_start3A_370 : memref<128x128xf32, #tpu.memory_space<hbm>>) target_semaphore(%run_scoped3A_364 : memref<!tpu.dma_semaphore, #tpu.memory_space<semaphore_mem>>)
      %dma_wait3A_371 = arith.constant 0 : i32
      %dma_wait3A_372 = tpu.memref_slice %arg5[%run_scoped3A_34, %mul3A_2, %dma_wait3A_371] : memref<26x4096x128xf32, #tpu.memory_space<hbm>> -> memref<1x128x128xf32, #tpu.memory_space<hbm>>
      %dma_wait3A_373 = tpu.memref_squeeze %dma_wait3A_372 : memref<1x128x128xf32, #tpu.memory_space<hbm>> -> memref<128x128xf32, #tpu.memory_space<hbm>>
      %dma_wait3A_374 = arith.constant 0 : i32
      %dma_wait3A_375 = tpu.memref_slice %arg5[%run_scoped3A_34, %mul3A_2, %dma_wait3A_374] : memref<26x4096x128xf32, #tpu.memory_space<hbm>> -> memref<1x128x128xf32, #tpu.memory_space<hbm>>
      %dma_wait3A_376 = tpu.memref_squeeze %dma_wait3A_375 : memref<1x128x128xf32, #tpu.memory_space<hbm>> -> memref<128x128xf32, #tpu.memory_space<hbm>>
      tpu.wait_dma2 semaphore(%run_scoped3A_364 : memref<!tpu.dma_semaphore, #tpu.memory_space<semaphore_mem>>) src(%arg8 : memref<128x128xf32, #tpu.memory_space<vmem>>) dst(%dma_wait3A_376 : memref<128x128xf32, #tpu.memory_space<hbm>>)
      tpu.yield
    }) : () -> ()
    %dma_start3A_35 = arith.constant 3 : i32
    %dma_start3A_36 = arith.constant 0 : i32
    %dma_start3A_37 = tpu.memref_slice %arg6[%dma_start3A_35, %dma_start3A_36] : memref<26x128xi32, #tpu.memory_space<vmem>> -> memref<1x128xi32, #tpu.memory_space<vmem>>
    %dma_start3A_38 = tpu.memref_squeeze %dma_start3A_37 : memref<1x128xi32, #tpu.memory_space<vmem>> -> memref<128xi32, #tpu.memory_space<vmem>>
    %dma_start3A_39 = arith.constant 0 : i32
    %dma_start3A_40 = arith.constant 0 : i32
    %dma_start3A_41 = tpu.memref_slice %arg2[%dma_start3A_39, %dma_start3A_40] : memref<13000x128xf32, #tpu.memory_space<hbm>> -> memref<13000x128xf32, #tpu.memory_space<hbm>>
    tpu.enqueue_indirect_dma source(%dma_start3A_41 : memref<13000x128xf32, #tpu.memory_space<hbm>>) target(%arg8 : memref<128x128xf32, #tpu.memory_space<vmem>>) offsets(%dma_start3A_38 : memref<128xi32, #tpu.memory_space<vmem>>) semaphore(%arg10 : memref<!tpu.dma_semaphore, #tpu.memory_space<semaphore_mem>>)
    %dma_wait3A_42 = arith.constant 0 : i32
    %dma_wait3A_43 = arith.constant 0 : i32
    %dma_wait3A_44 = tpu.memref_slice %arg2[%dma_wait3A_42, %dma_wait3A_43] : memref<13000x128xf32, #tpu.memory_space<hbm>> -> memref<128x128xf32, #tpu.memory_space<hbm>>
    %dma_wait3A_45 = arith.constant 0 : i32
    %dma_wait3A_46 = arith.constant 0 : i32
    %dma_wait3A_47 = tpu.memref_slice %arg2[%dma_wait3A_45, %dma_wait3A_46] : memref<13000x128xf32, #tpu.memory_space<hbm>> -> memref<128x128xf32, #tpu.memory_space<hbm>>
    tpu.wait_dma2 semaphore(%arg9 : memref<!tpu.dma_semaphore, #tpu.memory_space<semaphore_mem>>) src(%dma_wait3A_47 : memref<128x128xf32, #tpu.memory_space<hbm>>) dst(%arg7 : memref<128x128xf32, #tpu.memory_space<vmem>>)
    %run_scoped3A_48 = arith.constant 2 : i32
    "tpu.region"() ({
      %run_scoped3A_364 = tpu.sem_alloc : memref<!tpu.dma_semaphore, #tpu.memory_space<semaphore_mem>>
      %dma_start3A_365 = arith.constant 0 : i32
      %dma_start3A_366 = tpu.memref_slice %arg5[%run_scoped3A_48, %mul3A_2, %dma_start3A_365] : memref<26x4096x128xf32, #tpu.memory_space<hbm>> -> memref<1x128x128xf32, #tpu.memory_space<hbm>>
      %dma_start3A_367 = tpu.memref_squeeze %dma_start3A_366 : memref<1x128x128xf32, #tpu.memory_space<hbm>> -> memref<128x128xf32, #tpu.memory_space<hbm>>
      %dma_start3A_368 = arith.constant 0 : i32
      %dma_start3A_369 = tpu.memref_slice %arg5[%run_scoped3A_48, %mul3A_2, %dma_start3A_368] : memref<26x4096x128xf32, #tpu.memory_space<hbm>> -> memref<1x128x128xf32, #tpu.memory_space<hbm>>
      %dma_start3A_370 = tpu.memref_squeeze %dma_start3A_369 : memref<1x128x128xf32, #tpu.memory_space<hbm>> -> memref<128x128xf32, #tpu.memory_space<hbm>>
      tpu.enqueue_dma source(%arg7 : memref<128x128xf32, #tpu.memory_space<vmem>>) target(%dma_start3A_370 : memref<128x128xf32, #tpu.memory_space<hbm>>) target_semaphore(%run_scoped3A_364 : memref<!tpu.dma_semaphore, #tpu.memory_space<semaphore_mem>>)
      %dma_wait3A_371 = arith.constant 0 : i32
      %dma_wait3A_372 = tpu.memref_slice %arg5[%run_scoped3A_48, %mul3A_2, %dma_wait3A_371] : memref<26x4096x128xf32, #tpu.memory_space<hbm>> -> memref<1x128x128xf32, #tpu.memory_space<hbm>>
      %dma_wait3A_373 = tpu.memref_squeeze %dma_wait3A_372 : memref<1x128x128xf32, #tpu.memory_space<hbm>> -> memref<128x128xf32, #tpu.memory_space<hbm>>
      %dma_wait3A_374 = arith.constant 0 : i32
      %dma_wait3A_375 = tpu.memref_slice %arg5[%run_scoped3A_48, %mul3A_2, %dma_wait3A_374] : memref<26x4096x128xf32, #tpu.memory_space<hbm>> -> memref<1x128x128xf32, #tpu.memory_space<hbm>>
      %dma_wait3A_376 = tpu.memref_squeeze %dma_wait3A_375 : memref<1x128x128xf32, #tpu.memory_space<hbm>> -> memref<128x128xf32, #tpu.memory_space<hbm>>
      tpu.wait_dma2 semaphore(%run_scoped3A_364 : memref<!tpu.dma_semaphore, #tpu.memory_space<semaphore_mem>>) src(%arg7 : memref<128x128xf32, #tpu.memory_space<vmem>>) dst(%dma_wait3A_376 : memref<128x128xf32, #tpu.memory_space<hbm>>)
      tpu.yield
    }) : () -> ()
    %dma_start3A_49 = arith.constant 4 : i32
    %dma_start3A_50 = arith.constant 0 : i32
    %dma_start3A_51 = tpu.memref_slice %arg6[%dma_start3A_49, %dma_start3A_50] : memref<26x128xi32, #tpu.memory_space<vmem>> -> memref<1x128xi32, #tpu.memory_space<vmem>>
    %dma_start3A_52 = tpu.memref_squeeze %dma_start3A_51 : memref<1x128xi32, #tpu.memory_space<vmem>> -> memref<128xi32, #tpu.memory_space<vmem>>
    %dma_start3A_53 = arith.constant 0 : i32
    %dma_start3A_54 = arith.constant 0 : i32
    %dma_start3A_55 = tpu.memref_slice %arg2[%dma_start3A_53, %dma_start3A_54] : memref<13000x128xf32, #tpu.memory_space<hbm>> -> memref<13000x128xf32, #tpu.memory_space<hbm>>
    tpu.enqueue_indirect_dma source(%dma_start3A_55 : memref<13000x128xf32, #tpu.memory_space<hbm>>) target(%arg7 : memref<128x128xf32, #tpu.memory_space<vmem>>) offsets(%dma_start3A_52 : memref<128xi32, #tpu.memory_space<vmem>>) semaphore(%arg9 : memref<!tpu.dma_semaphore, #tpu.memory_space<semaphore_mem>>)
    %dma_wait3A_56 = arith.constant 0 : i32
    %dma_wait3A_57 = arith.constant 0 : i32
    %dma_wait3A_58 = tpu.memref_slice %arg2[%dma_wait3A_56, %dma_wait3A_57] : memref<13000x128xf32, #tpu.memory_space<hbm>> -> memref<128x128xf32, #tpu.memory_space<hbm>>
    %dma_wait3A_59 = arith.constant 0 : i32
    %dma_wait3A_60 = arith.constant 0 : i32
    %dma_wait3A_61 = tpu.memref_slice %arg2[%dma_wait3A_59, %dma_wait3A_60] : memref<13000x128xf32, #tpu.memory_space<hbm>> -> memref<128x128xf32, #tpu.memory_space<hbm>>
    tpu.wait_dma2 semaphore(%arg10 : memref<!tpu.dma_semaphore, #tpu.memory_space<semaphore_mem>>) src(%dma_wait3A_61 : memref<128x128xf32, #tpu.memory_space<hbm>>) dst(%arg8 : memref<128x128xf32, #tpu.memory_space<vmem>>)
    %run_scoped3A_62 = arith.constant 3 : i32
    "tpu.region"() ({
      %run_scoped3A_364 = tpu.sem_alloc : memref<!tpu.dma_semaphore, #tpu.memory_space<semaphore_mem>>
      %dma_start3A_365 = arith.constant 0 : i32
      %dma_start3A_366 = tpu.memref_slice %arg5[%run_scoped3A_62, %mul3A_2, %dma_start3A_365] : memref<26x4096x128xf32, #tpu.memory_space<hbm>> -> memref<1x128x128xf32, #tpu.memory_space<hbm>>
      %dma_start3A_367 = tpu.memref_squeeze %dma_start3A_366 : memref<1x128x128xf32, #tpu.memory_space<hbm>> -> memref<128x128xf32, #tpu.memory_space<hbm>>
      %dma_start3A_368 = arith.constant 0 : i32
      %dma_start3A_369 = tpu.memref_slice %arg5[%run_scoped3A_62, %mul3A_2, %dma_start3A_368] : memref<26x4096x128xf32, #tpu.memory_space<hbm>> -> memref<1x128x128xf32, #tpu.memory_space<hbm>>
      %dma_start3A_370 = tpu.memref_squeeze %dma_start3A_369 : memref<1x128x128xf32, #tpu.memory_space<hbm>> -> memref<128x128xf32, #tpu.memory_space<hbm>>
      tpu.enqueue_dma source(%arg8 : memref<128x128xf32, #tpu.memory_space<vmem>>) target(%dma_start3A_370 : memref<128x128xf32, #tpu.memory_space<hbm>>) target_semaphore(%run_scoped3A_364 : memref<!tpu.dma_semaphore, #tpu.memory_space<semaphore_mem>>)
      %dma_wait3A_371 = arith.constant 0 : i32
      %dma_wait3A_372 = tpu.memref_slice %arg5[%run_scoped3A_62, %mul3A_2, %dma_wait3A_371] : memref<26x4096x128xf32, #tpu.memory_space<hbm>> -> memref<1x128x128xf32, #tpu.memory_space<hbm>>
      %dma_wait3A_373 = tpu.memref_squeeze %dma_wait3A_372 : memref<1x128x128xf32, #tpu.memory_space<hbm>> -> memref<128x128xf32, #tpu.memory_space<hbm>>
      %dma_wait3A_374 = arith.constant 0 : i32
      %dma_wait3A_375 = tpu.memref_slice %arg5[%run_scoped3A_62, %mul3A_2, %dma_wait3A_374] : memref<26x4096x128xf32, #tpu.memory_space<hbm>> -> memref<1x128x128xf32, #tpu.memory_space<hbm>>
      %dma_wait3A_376 = tpu.memref_squeeze %dma_wait3A_375 : memref<1x128x128xf32, #tpu.memory_space<hbm>> -> memref<128x128xf32, #tpu.memory_space<hbm>>
      tpu.wait_dma2 semaphore(%run_scoped3A_364 : memref<!tpu.dma_semaphore, #tpu.memory_space<semaphore_mem>>) src(%arg8 : memref<128x128xf32, #tpu.memory_space<vmem>>) dst(%dma_wait3A_376 : memref<128x128xf32, #tpu.memory_space<hbm>>)
      tpu.yield
    }) : () -> ()
    %dma_start3A_63 = arith.constant 5 : i32
    %dma_start3A_64 = arith.constant 0 : i32
    %dma_start3A_65 = tpu.memref_slice %arg6[%dma_start3A_63, %dma_start3A_64] : memref<26x128xi32, #tpu.memory_space<vmem>> -> memref<1x128xi32, #tpu.memory_space<vmem>>
    %dma_start3A_66 = tpu.memref_squeeze %dma_start3A_65 : memref<1x128xi32, #tpu.memory_space<vmem>> -> memref<128xi32, #tpu.memory_space<vmem>>
    %dma_start3A_67 = arith.constant 0 : i32
    %dma_start3A_68 = arith.constant 0 : i32
    %dma_start3A_69 = tpu.memref_slice %arg2[%dma_start3A_67, %dma_start3A_68] : memref<13000x128xf32, #tpu.memory_space<hbm>> -> memref<13000x128xf32, #tpu.memory_space<hbm>>
    tpu.enqueue_indirect_dma source(%dma_start3A_69 : memref<13000x128xf32, #tpu.memory_space<hbm>>) target(%arg8 : memref<128x128xf32, #tpu.memory_space<vmem>>) offsets(%dma_start3A_66 : memref<128xi32, #tpu.memory_space<vmem>>) semaphore(%arg10 : memref<!tpu.dma_semaphore, #tpu.memory_space<semaphore_mem>>)
    %dma_wait3A_70 = arith.constant 0 : i32
    %dma_wait3A_71 = arith.constant 0 : i32
    %dma_wait3A_72 = tpu.memref_slice %arg2[%dma_wait3A_70, %dma_wait3A_71] : memref<13000x128xf32, #tpu.memory_space<hbm>> -> memref<128x128xf32, #tpu.memory_space<hbm>>
    %dma_wait3A_73 = arith.constant 0 : i32
    %dma_wait3A_74 = arith.constant 0 : i32
    %dma_wait3A_75 = tpu.memref_slice %arg2[%dma_wait3A_73, %dma_wait3A_74] : memref<13000x128xf32, #tpu.memory_space<hbm>> -> memref<128x128xf32, #tpu.memory_space<hbm>>
    tpu.wait_dma2 semaphore(%arg9 : memref<!tpu.dma_semaphore, #tpu.memory_space<semaphore_mem>>) src(%dma_wait3A_75 : memref<128x128xf32, #tpu.memory_space<hbm>>) dst(%arg7 : memref<128x128xf32, #tpu.memory_space<vmem>>)
    %run_scoped3A_76 = arith.constant 4 : i32
    "tpu.region"() ({
      %run_scoped3A_364 = tpu.sem_alloc : memref<!tpu.dma_semaphore, #tpu.memory_space<semaphore_mem>>
      %dma_start3A_365 = arith.constant 0 : i32
      %dma_start3A_366 = tpu.memref_slice %arg5[%run_scoped3A_76, %mul3A_2, %dma_start3A_365] : memref<26x4096x128xf32, #tpu.memory_space<hbm>> -> memref<1x128x128xf32, #tpu.memory_space<hbm>>
      %dma_start3A_367 = tpu.memref_squeeze %dma_start3A_366 : memref<1x128x128xf32, #tpu.memory_space<hbm>> -> memref<128x128xf32, #tpu.memory_space<hbm>>
      %dma_start3A_368 = arith.constant 0 : i32
      %dma_start3A_369 = tpu.memref_slice %arg5[%run_scoped3A_76, %mul3A_2, %dma_start3A_368] : memref<26x4096x128xf32, #tpu.memory_space<hbm>> -> memref<1x128x128xf32, #tpu.memory_space<hbm>>
      %dma_start3A_370 = tpu.memref_squeeze %dma_start3A_369 : memref<1x128x128xf32, #tpu.memory_space<hbm>> -> memref<128x128xf32, #tpu.memory_space<hbm>>
      tpu.enqueue_dma source(%arg7 : memref<128x128xf32, #tpu.memory_space<vmem>>) target(%dma_start3A_370 : memref<128x128xf32, #tpu.memory_space<hbm>>) target_semaphore(%run_scoped3A_364 : memref<!tpu.dma_semaphore, #tpu.memory_space<semaphore_mem>>)
      %dma_wait3A_371 = arith.constant 0 : i32
      %dma_wait3A_372 = tpu.memref_slice %arg5[%run_scoped3A_76, %mul3A_2, %dma_wait3A_371] : memref<26x4096x128xf32, #tpu.memory_space<hbm>> -> memref<1x128x128xf32, #tpu.memory_space<hbm>>
      %dma_wait3A_373 = tpu.memref_squeeze %dma_wait3A_372 : memref<1x128x128xf32, #tpu.memory_space<hbm>> -> memref<128x128xf32, #tpu.memory_space<hbm>>
      %dma_wait3A_374 = arith.constant 0 : i32
      %dma_wait3A_375 = tpu.memref_slice %arg5[%run_scoped3A_76, %mul3A_2, %dma_wait3A_374] : memref<26x4096x128xf32, #tpu.memory_space<hbm>> -> memref<1x128x128xf32, #tpu.memory_space<hbm>>
      %dma_wait3A_376 = tpu.memref_squeeze %dma_wait3A_375 : memref<1x128x128xf32, #tpu.memory_space<hbm>> -> memref<128x128xf32, #tpu.memory_space<hbm>>
      tpu.wait_dma2 semaphore(%run_scoped3A_364 : memref<!tpu.dma_semaphore, #tpu.memory_space<semaphore_mem>>) src(%arg7 : memref<128x128xf32, #tpu.memory_space<vmem>>) dst(%dma_wait3A_376 : memref<128x128xf32, #tpu.memory_space<hbm>>)
      tpu.yield
    }) : () -> ()
    %dma_start3A_77 = arith.constant 6 : i32
    %dma_start3A_78 = arith.constant 0 : i32
    %dma_start3A_79 = tpu.memref_slice %arg6[%dma_start3A_77, %dma_start3A_78] : memref<26x128xi32, #tpu.memory_space<vmem>> -> memref<1x128xi32, #tpu.memory_space<vmem>>
    %dma_start3A_80 = tpu.memref_squeeze %dma_start3A_79 : memref<1x128xi32, #tpu.memory_space<vmem>> -> memref<128xi32, #tpu.memory_space<vmem>>
    %dma_start3A_81 = arith.constant 0 : i32
    %dma_start3A_82 = arith.constant 0 : i32
    %dma_start3A_83 = tpu.memref_slice %arg2[%dma_start3A_81, %dma_start3A_82] : memref<13000x128xf32, #tpu.memory_space<hbm>> -> memref<13000x128xf32, #tpu.memory_space<hbm>>
    tpu.enqueue_indirect_dma source(%dma_start3A_83 : memref<13000x128xf32, #tpu.memory_space<hbm>>) target(%arg7 : memref<128x128xf32, #tpu.memory_space<vmem>>) offsets(%dma_start3A_80 : memref<128xi32, #tpu.memory_space<vmem>>) semaphore(%arg9 : memref<!tpu.dma_semaphore, #tpu.memory_space<semaphore_mem>>)
    %dma_wait3A_84 = arith.constant 0 : i32
    %dma_wait3A_85 = arith.constant 0 : i32
    %dma_wait3A_86 = tpu.memref_slice %arg2[%dma_wait3A_84, %dma_wait3A_85] : memref<13000x128xf32, #tpu.memory_space<hbm>> -> memref<128x128xf32, #tpu.memory_space<hbm>>
    %dma_wait3A_87 = arith.constant 0 : i32
    %dma_wait3A_88 = arith.constant 0 : i32
    %dma_wait3A_89 = tpu.memref_slice %arg2[%dma_wait3A_87, %dma_wait3A_88] : memref<13000x128xf32, #tpu.memory_space<hbm>> -> memref<128x128xf32, #tpu.memory_space<hbm>>
    tpu.wait_dma2 semaphore(%arg10 : memref<!tpu.dma_semaphore, #tpu.memory_space<semaphore_mem>>) src(%dma_wait3A_89 : memref<128x128xf32, #tpu.memory_space<hbm>>) dst(%arg8 : memref<128x128xf32, #tpu.memory_space<vmem>>)
    %run_scoped3A_90 = arith.constant 5 : i32
    "tpu.region"() ({
      %run_scoped3A_364 = tpu.sem_alloc : memref<!tpu.dma_semaphore, #tpu.memory_space<semaphore_mem>>
      %dma_start3A_365 = arith.constant 0 : i32
      %dma_start3A_366 = tpu.memref_slice %arg5[%run_scoped3A_90, %mul3A_2, %dma_start3A_365] : memref<26x4096x128xf32, #tpu.memory_space<hbm>> -> memref<1x128x128xf32, #tpu.memory_space<hbm>>
      %dma_start3A_367 = tpu.memref_squeeze %dma_start3A_366 : memref<1x128x128xf32, #tpu.memory_space<hbm>> -> memref<128x128xf32, #tpu.memory_space<hbm>>
      %dma_start3A_368 = arith.constant 0 : i32
      %dma_start3A_369 = tpu.memref_slice %arg5[%run_scoped3A_90, %mul3A_2, %dma_start3A_368] : memref<26x4096x128xf32, #tpu.memory_space<hbm>> -> memref<1x128x128xf32, #tpu.memory_space<hbm>>
      %dma_start3A_370 = tpu.memref_squeeze %dma_start3A_369 : memref<1x128x128xf32, #tpu.memory_space<hbm>> -> memref<128x128xf32, #tpu.memory_space<hbm>>
      tpu.enqueue_dma source(%arg8 : memref<128x128xf32, #tpu.memory_space<vmem>>) target(%dma_start3A_370 : memref<128x128xf32, #tpu.memory_space<hbm>>) target_semaphore(%run_scoped3A_364 : memref<!tpu.dma_semaphore, #tpu.memory_space<semaphore_mem>>)
      %dma_wait3A_371 = arith.constant 0 : i32
      %dma_wait3A_372 = tpu.memref_slice %arg5[%run_scoped3A_90, %mul3A_2, %dma_wait3A_371] : memref<26x4096x128xf32, #tpu.memory_space<hbm>> -> memref<1x128x128xf32, #tpu.memory_space<hbm>>
      %dma_wait3A_373 = tpu.memref_squeeze %dma_wait3A_372 : memref<1x128x128xf32, #tpu.memory_space<hbm>> -> memref<128x128xf32, #tpu.memory_space<hbm>>
      %dma_wait3A_374 = arith.constant 0 : i32
      %dma_wait3A_375 = tpu.memref_slice %arg5[%run_scoped3A_90, %mul3A_2, %dma_wait3A_374] : memref<26x4096x128xf32, #tpu.memory_space<hbm>> -> memref<1x128x128xf32, #tpu.memory_space<hbm>>
      %dma_wait3A_376 = tpu.memref_squeeze %dma_wait3A_375 : memref<1x128x128xf32, #tpu.memory_space<hbm>> -> memref<128x128xf32, #tpu.memory_space<hbm>>
      tpu.wait_dma2 semaphore(%run_scoped3A_364 : memref<!tpu.dma_semaphore, #tpu.memory_space<semaphore_mem>>) src(%arg8 : memref<128x128xf32, #tpu.memory_space<vmem>>) dst(%dma_wait3A_376 : memref<128x128xf32, #tpu.memory_space<hbm>>)
      tpu.yield
    }) : () -> ()
    %dma_start3A_91 = arith.constant 7 : i32
    %dma_start3A_92 = arith.constant 0 : i32
    %dma_start3A_93 = tpu.memref_slice %arg6[%dma_start3A_91, %dma_start3A_92] : memref<26x128xi32, #tpu.memory_space<vmem>> -> memref<1x128xi32, #tpu.memory_space<vmem>>
    %dma_start3A_94 = tpu.memref_squeeze %dma_start3A_93 : memref<1x128xi32, #tpu.memory_space<vmem>> -> memref<128xi32, #tpu.memory_space<vmem>>
    %dma_start3A_95 = arith.constant 0 : i32
    %dma_start3A_96 = arith.constant 0 : i32
    %dma_start3A_97 = tpu.memref_slice %arg2[%dma_start3A_95, %dma_start3A_96] : memref<13000x128xf32, #tpu.memory_space<hbm>> -> memref<13000x128xf32, #tpu.memory_space<hbm>>
    tpu.enqueue_indirect_dma source(%dma_start3A_97 : memref<13000x128xf32, #tpu.memory_space<hbm>>) target(%arg8 : memref<128x128xf32, #tpu.memory_space<vmem>>) offsets(%dma_start3A_94 : memref<128xi32, #tpu.memory_space<vmem>>) semaphore(%arg10 : memref<!tpu.dma_semaphore, #tpu.memory_space<semaphore_mem>>)
    %dma_wait3A_98 = arith.constant 0 : i32
    %dma_wait3A_99 = arith.constant 0 : i32
    %dma_wait3A_100 = tpu.memref_slice %arg2[%dma_wait3A_98, %dma_wait3A_99] : memref<13000x128xf32, #tpu.memory_space<hbm>> -> memref<128x128xf32, #tpu.memory_space<hbm>>
    %dma_wait3A_101 = arith.constant 0 : i32
    %dma_wait3A_102 = arith.constant 0 : i32
    %dma_wait3A_103 = tpu.memref_slice %arg2[%dma_wait3A_101, %dma_wait3A_102] : memref<13000x128xf32, #tpu.memory_space<hbm>> -> memref<128x128xf32, #tpu.memory_space<hbm>>
    tpu.wait_dma2 semaphore(%arg9 : memref<!tpu.dma_semaphore, #tpu.memory_space<semaphore_mem>>) src(%dma_wait3A_103 : memref<128x128xf32, #tpu.memory_space<hbm>>) dst(%arg7 : memref<128x128xf32, #tpu.memory_space<vmem>>)
    %run_scoped3A_104 = arith.constant 6 : i32
    "tpu.region"() ({
      %run_scoped3A_364 = tpu.sem_alloc : memref<!tpu.dma_semaphore, #tpu.memory_space<semaphore_mem>>
      %dma_start3A_365 = arith.constant 0 : i32
      %dma_start3A_366 = tpu.memref_slice %arg5[%run_scoped3A_104, %mul3A_2, %dma_start3A_365] : memref<26x4096x128xf32, #tpu.memory_space<hbm>> -> memref<1x128x128xf32, #tpu.memory_space<hbm>>
      %dma_start3A_367 = tpu.memref_squeeze %dma_start3A_366 : memref<1x128x128xf32, #tpu.memory_space<hbm>> -> memref<128x128xf32, #tpu.memory_space<hbm>>
      %dma_start3A_368 = arith.constant 0 : i32
      %dma_start3A_369 = tpu.memref_slice %arg5[%run_scoped3A_104, %mul3A_2, %dma_start3A_368] : memref<26x4096x128xf32, #tpu.memory_space<hbm>> -> memref<1x128x128xf32, #tpu.memory_space<hbm>>
      %dma_start3A_370 = tpu.memref_squeeze %dma_start3A_369 : memref<1x128x128xf32, #tpu.memory_space<hbm>> -> memref<128x128xf32, #tpu.memory_space<hbm>>
      tpu.enqueue_dma source(%arg7 : memref<128x128xf32, #tpu.memory_space<vmem>>) target(%dma_start3A_370 : memref<128x128xf32, #tpu.memory_space<hbm>>) target_semaphore(%run_scoped3A_364 : memref<!tpu.dma_semaphore, #tpu.memory_space<semaphore_mem>>)
      %dma_wait3A_371 = arith.constant 0 : i32
      %dma_wait3A_372 = tpu.memref_slice %arg5[%run_scoped3A_104, %mul3A_2, %dma_wait3A_371] : memref<26x4096x128xf32, #tpu.memory_space<hbm>> -> memref<1x128x128xf32, #tpu.memory_space<hbm>>
      %dma_wait3A_373 = tpu.memref_squeeze %dma_wait3A_372 : memref<1x128x128xf32, #tpu.memory_space<hbm>> -> memref<128x128xf32, #tpu.memory_space<hbm>>
      %dma_wait3A_374 = arith.constant 0 : i32
      %dma_wait3A_375 = tpu.memref_slice %arg5[%run_scoped3A_104, %mul3A_2, %dma_wait3A_374] : memref<26x4096x128xf32, #tpu.memory_space<hbm>> -> memref<1x128x128xf32, #tpu.memory_space<hbm>>
      %dma_wait3A_376 = tpu.memref_squeeze %dma_wait3A_375 : memref<1x128x128xf32, #tpu.memory_space<hbm>> -> memref<128x128xf32, #tpu.memory_space<hbm>>
      tpu.wait_dma2 semaphore(%run_scoped3A_364 : memref<!tpu.dma_semaphore, #tpu.memory_space<semaphore_mem>>) src(%arg7 : memref<128x128xf32, #tpu.memory_space<vmem>>) dst(%dma_wait3A_376 : memref<128x128xf32, #tpu.memory_space<hbm>>)
      tpu.yield
    }) : () -> ()
    %dma_start3A_105 = arith.constant 8 : i32
    %dma_start3A_106 = arith.constant 0 : i32
    %dma_start3A_107 = tpu.memref_slice %arg6[%dma_start3A_105, %dma_start3A_106] : memref<26x128xi32, #tpu.memory_space<vmem>> -> memref<1x128xi32, #tpu.memory_space<vmem>>
    %dma_start3A_108 = tpu.memref_squeeze %dma_start3A_107 : memref<1x128xi32, #tpu.memory_space<vmem>> -> memref<128xi32, #tpu.memory_space<vmem>>
    %dma_start3A_109 = arith.constant 0 : i32
    %dma_start3A_110 = arith.constant 0 : i32
    %dma_start3A_111 = tpu.memref_slice %arg2[%dma_start3A_109, %dma_start3A_110] : memref<13000x128xf32, #tpu.memory_space<hbm>> -> memref<13000x128xf32, #tpu.memory_space<hbm>>
    tpu.enqueue_indirect_dma source(%dma_start3A_111 : memref<13000x128xf32, #tpu.memory_space<hbm>>) target(%arg7 : memref<128x128xf32, #tpu.memory_space<vmem>>) offsets(%dma_start3A_108 : memref<128xi32, #tpu.memory_space<vmem>>) semaphore(%arg9 : memref<!tpu.dma_semaphore, #tpu.memory_space<semaphore_mem>>)
    %dma_wait3A_112 = arith.constant 0 : i32
    %dma_wait3A_113 = arith.constant 0 : i32
    %dma_wait3A_114 = tpu.memref_slice %arg2[%dma_wait3A_112, %dma_wait3A_113] : memref<13000x128xf32, #tpu.memory_space<hbm>> -> memref<128x128xf32, #tpu.memory_space<hbm>>
    %dma_wait3A_115 = arith.constant 0 : i32
    %dma_wait3A_116 = arith.constant 0 : i32
    %dma_wait3A_117 = tpu.memref_slice %arg2[%dma_wait3A_115, %dma_wait3A_116] : memref<13000x128xf32, #tpu.memory_space<hbm>> -> memref<128x128xf32, #tpu.memory_space<hbm>>
    tpu.wait_dma2 semaphore(%arg10 : memref<!tpu.dma_semaphore, #tpu.memory_space<semaphore_mem>>) src(%dma_wait3A_117 : memref<128x128xf32, #tpu.memory_space<hbm>>) dst(%arg8 : memref<128x128xf32, #tpu.memory_space<vmem>>)
    %run_scoped3A_118 = arith.constant 7 : i32
    "tpu.region"() ({
      %run_scoped3A_364 = tpu.sem_alloc : memref<!tpu.dma_semaphore, #tpu.memory_space<semaphore_mem>>
      %dma_start3A_365 = arith.constant 0 : i32
      %dma_start3A_366 = tpu.memref_slice %arg5[%run_scoped3A_118, %mul3A_2, %dma_start3A_365] : memref<26x4096x128xf32, #tpu.memory_space<hbm>> -> memref<1x128x128xf32, #tpu.memory_space<hbm>>
      %dma_start3A_367 = tpu.memref_squeeze %dma_start3A_366 : memref<1x128x128xf32, #tpu.memory_space<hbm>> -> memref<128x128xf32, #tpu.memory_space<hbm>>
      %dma_start3A_368 = arith.constant 0 : i32
      %dma_start3A_369 = tpu.memref_slice %arg5[%run_scoped3A_118, %mul3A_2, %dma_start3A_368] : memref<26x4096x128xf32, #tpu.memory_space<hbm>> -> memref<1x128x128xf32, #tpu.memory_space<hbm>>
      %dma_start3A_370 = tpu.memref_squeeze %dma_start3A_369 : memref<1x128x128xf32, #tpu.memory_space<hbm>> -> memref<128x128xf32, #tpu.memory_space<hbm>>
      tpu.enqueue_dma source(%arg8 : memref<128x128xf32, #tpu.memory_space<vmem>>) target(%dma_start3A_370 : memref<128x128xf32, #tpu.memory_space<hbm>>) target_semaphore(%run_scoped3A_364 : memref<!tpu.dma_semaphore, #tpu.memory_space<semaphore_mem>>)
      %dma_wait3A_371 = arith.constant 0 : i32
      %dma_wait3A_372 = tpu.memref_slice %arg5[%run_scoped3A_118, %mul3A_2, %dma_wait3A_371] : memref<26x4096x128xf32, #tpu.memory_space<hbm>> -> memref<1x128x128xf32, #tpu.memory_space<hbm>>
      %dma_wait3A_373 = tpu.memref_squeeze %dma_wait3A_372 : memref<1x128x128xf32, #tpu.memory_space<hbm>> -> memref<128x128xf32, #tpu.memory_space<hbm>>
      %dma_wait3A_374 = arith.constant 0 : i32
      %dma_wait3A_375 = tpu.memref_slice %arg5[%run_scoped3A_118, %mul3A_2, %dma_wait3A_374] : memref<26x4096x128xf32, #tpu.memory_space<hbm>> -> memref<1x128x128xf32, #tpu.memory_space<hbm>>
      %dma_wait3A_376 = tpu.memref_squeeze %dma_wait3A_375 : memref<1x128x128xf32, #tpu.memory_space<hbm>> -> memref<128x128xf32, #tpu.memory_space<hbm>>
      tpu.wait_dma2 semaphore(%run_scoped3A_364 : memref<!tpu.dma_semaphore, #tpu.memory_space<semaphore_mem>>) src(%arg8 : memref<128x128xf32, #tpu.memory_space<vmem>>) dst(%dma_wait3A_376 : memref<128x128xf32, #tpu.memory_space<hbm>>)
      tpu.yield
    }) : () -> ()
    %dma_start3A_119 = arith.constant 9 : i32
    %dma_start3A_120 = arith.constant 0 : i32
    %dma_start3A_121 = tpu.memref_slice %arg6[%dma_start3A_119, %dma_start3A_120] : memref<26x128xi32, #tpu.memory_space<vmem>> -> memref<1x128xi32, #tpu.memory_space<vmem>>
    %dma_start3A_122 = tpu.memref_squeeze %dma_start3A_121 : memref<1x128xi32, #tpu.memory_space<vmem>> -> memref<128xi32, #tpu.memory_space<vmem>>
    %dma_start3A_123 = arith.constant 0 : i32
    %dma_start3A_124 = arith.constant 0 : i32
    %dma_start3A_125 = tpu.memref_slice %arg2[%dma_start3A_123, %dma_start3A_124] : memref<13000x128xf32, #tpu.memory_space<hbm>> -> memref<13000x128xf32, #tpu.memory_space<hbm>>
    tpu.enqueue_indirect_dma source(%dma_start3A_125 : memref<13000x128xf32, #tpu.memory_space<hbm>>) target(%arg8 : memref<128x128xf32, #tpu.memory_space<vmem>>) offsets(%dma_start3A_122 : memref<128xi32, #tpu.memory_space<vmem>>) semaphore(%arg10 : memref<!tpu.dma_semaphore, #tpu.memory_space<semaphore_mem>>)
    %dma_wait3A_126 = arith.constant 0 : i32
    %dma_wait3A_127 = arith.constant 0 : i32
    %dma_wait3A_128 = tpu.memref_slice %arg2[%dma_wait3A_126, %dma_wait3A_127] : memref<13000x128xf32, #tpu.memory_space<hbm>> -> memref<128x128xf32, #tpu.memory_space<hbm>>
    %dma_wait3A_129 = arith.constant 0 : i32
    %dma_wait3A_130 = arith.constant 0 : i32
    %dma_wait3A_131 = tpu.memref_slice %arg2[%dma_wait3A_129, %dma_wait3A_130] : memref<13000x128xf32, #tpu.memory_space<hbm>> -> memref<128x128xf32, #tpu.memory_space<hbm>>
    tpu.wait_dma2 semaphore(%arg9 : memref<!tpu.dma_semaphore, #tpu.memory_space<semaphore_mem>>) src(%dma_wait3A_131 : memref<128x128xf32, #tpu.memory_space<hbm>>) dst(%arg7 : memref<128x128xf32, #tpu.memory_space<vmem>>)
    %run_scoped3A_132 = arith.constant 8 : i32
    "tpu.region"() ({
      %run_scoped3A_364 = tpu.sem_alloc : memref<!tpu.dma_semaphore, #tpu.memory_space<semaphore_mem>>
      %dma_start3A_365 = arith.constant 0 : i32
      %dma_start3A_366 = tpu.memref_slice %arg5[%run_scoped3A_132, %mul3A_2, %dma_start3A_365] : memref<26x4096x128xf32, #tpu.memory_space<hbm>> -> memref<1x128x128xf32, #tpu.memory_space<hbm>>
      %dma_start3A_367 = tpu.memref_squeeze %dma_start3A_366 : memref<1x128x128xf32, #tpu.memory_space<hbm>> -> memref<128x128xf32, #tpu.memory_space<hbm>>
      %dma_start3A_368 = arith.constant 0 : i32
      %dma_start3A_369 = tpu.memref_slice %arg5[%run_scoped3A_132, %mul3A_2, %dma_start3A_368] : memref<26x4096x128xf32, #tpu.memory_space<hbm>> -> memref<1x128x128xf32, #tpu.memory_space<hbm>>
      %dma_start3A_370 = tpu.memref_squeeze %dma_start3A_369 : memref<1x128x128xf32, #tpu.memory_space<hbm>> -> memref<128x128xf32, #tpu.memory_space<hbm>>
      tpu.enqueue_dma source(%arg7 : memref<128x128xf32, #tpu.memory_space<vmem>>) target(%dma_start3A_370 : memref<128x128xf32, #tpu.memory_space<hbm>>) target_semaphore(%run_scoped3A_364 : memref<!tpu.dma_semaphore, #tpu.memory_space<semaphore_mem>>)
      %dma_wait3A_371 = arith.constant 0 : i32
      %dma_wait3A_372 = tpu.memref_slice %arg5[%run_scoped3A_132, %mul3A_2, %dma_wait3A_371] : memref<26x4096x128xf32, #tpu.memory_space<hbm>> -> memref<1x128x128xf32, #tpu.memory_space<hbm>>
      %dma_wait3A_373 = tpu.memref_squeeze %dma_wait3A_372 : memref<1x128x128xf32, #tpu.memory_space<hbm>> -> memref<128x128xf32, #tpu.memory_space<hbm>>
      %dma_wait3A_374 = arith.constant 0 : i32
      %dma_wait3A_375 = tpu.memref_slice %arg5[%run_scoped3A_132, %mul3A_2, %dma_wait3A_374] : memref<26x4096x128xf32, #tpu.memory_space<hbm>> -> memref<1x128x128xf32, #tpu.memory_space<hbm>>
      %dma_wait3A_376 = tpu.memref_squeeze %dma_wait3A_375 : memref<1x128x128xf32, #tpu.memory_space<hbm>> -> memref<128x128xf32, #tpu.memory_space<hbm>>
      tpu.wait_dma2 semaphore(%run_scoped3A_364 : memref<!tpu.dma_semaphore, #tpu.memory_space<semaphore_mem>>) src(%arg7 : memref<128x128xf32, #tpu.memory_space<vmem>>) dst(%dma_wait3A_376 : memref<128x128xf32, #tpu.memory_space<hbm>>)
      tpu.yield
    }) : () -> ()
    %dma_start3A_133 = arith.constant 10 : i32
    %dma_start3A_134 = arith.constant 0 : i32
    %dma_start3A_135 = tpu.memref_slice %arg6[%dma_start3A_133, %dma_start3A_134] : memref<26x128xi32, #tpu.memory_space<vmem>> -> memref<1x128xi32, #tpu.memory_space<vmem>>
    %dma_start3A_136 = tpu.memref_squeeze %dma_start3A_135 : memref<1x128xi32, #tpu.memory_space<vmem>> -> memref<128xi32, #tpu.memory_space<vmem>>
    %dma_start3A_137 = arith.constant 0 : i32
    %dma_start3A_138 = arith.constant 0 : i32
    %dma_start3A_139 = tpu.memref_slice %arg2[%dma_start3A_137, %dma_start3A_138] : memref<13000x128xf32, #tpu.memory_space<hbm>> -> memref<13000x128xf32, #tpu.memory_space<hbm>>
    tpu.enqueue_indirect_dma source(%dma_start3A_139 : memref<13000x128xf32, #tpu.memory_space<hbm>>) target(%arg7 : memref<128x128xf32, #tpu.memory_space<vmem>>) offsets(%dma_start3A_136 : memref<128xi32, #tpu.memory_space<vmem>>) semaphore(%arg9 : memref<!tpu.dma_semaphore, #tpu.memory_space<semaphore_mem>>)
    %dma_wait3A_140 = arith.constant 0 : i32
    %dma_wait3A_141 = arith.constant 0 : i32
    %dma_wait3A_142 = tpu.memref_slice %arg2[%dma_wait3A_140, %dma_wait3A_141] : memref<13000x128xf32, #tpu.memory_space<hbm>> -> memref<128x128xf32, #tpu.memory_space<hbm>>
    %dma_wait3A_143 = arith.constant 0 : i32
    %dma_wait3A_144 = arith.constant 0 : i32
    %dma_wait3A_145 = tpu.memref_slice %arg2[%dma_wait3A_143, %dma_wait3A_144] : memref<13000x128xf32, #tpu.memory_space<hbm>> -> memref<128x128xf32, #tpu.memory_space<hbm>>
    tpu.wait_dma2 semaphore(%arg10 : memref<!tpu.dma_semaphore, #tpu.memory_space<semaphore_mem>>) src(%dma_wait3A_145 : memref<128x128xf32, #tpu.memory_space<hbm>>) dst(%arg8 : memref<128x128xf32, #tpu.memory_space<vmem>>)
    %run_scoped3A_146 = arith.constant 9 : i32
    "tpu.region"() ({
      %run_scoped3A_364 = tpu.sem_alloc : memref<!tpu.dma_semaphore, #tpu.memory_space<semaphore_mem>>
      %dma_start3A_365 = arith.constant 0 : i32
      %dma_start3A_366 = tpu.memref_slice %arg5[%run_scoped3A_146, %mul3A_2, %dma_start3A_365] : memref<26x4096x128xf32, #tpu.memory_space<hbm>> -> memref<1x128x128xf32, #tpu.memory_space<hbm>>
      %dma_start3A_367 = tpu.memref_squeeze %dma_start3A_366 : memref<1x128x128xf32, #tpu.memory_space<hbm>> -> memref<128x128xf32, #tpu.memory_space<hbm>>
      %dma_start3A_368 = arith.constant 0 : i32
      %dma_start3A_369 = tpu.memref_slice %arg5[%run_scoped3A_146, %mul3A_2, %dma_start3A_368] : memref<26x4096x128xf32, #tpu.memory_space<hbm>> -> memref<1x128x128xf32, #tpu.memory_space<hbm>>
      %dma_start3A_370 = tpu.memref_squeeze %dma_start3A_369 : memref<1x128x128xf32, #tpu.memory_space<hbm>> -> memref<128x128xf32, #tpu.memory_space<hbm>>
      tpu.enqueue_dma source(%arg8 : memref<128x128xf32, #tpu.memory_space<vmem>>) target(%dma_start3A_370 : memref<128x128xf32, #tpu.memory_space<hbm>>) target_semaphore(%run_scoped3A_364 : memref<!tpu.dma_semaphore, #tpu.memory_space<semaphore_mem>>)
      %dma_wait3A_371 = arith.constant 0 : i32
      %dma_wait3A_372 = tpu.memref_slice %arg5[%run_scoped3A_146, %mul3A_2, %dma_wait3A_371] : memref<26x4096x128xf32, #tpu.memory_space<hbm>> -> memref<1x128x128xf32, #tpu.memory_space<hbm>>
      %dma_wait3A_373 = tpu.memref_squeeze %dma_wait3A_372 : memref<1x128x128xf32, #tpu.memory_space<hbm>> -> memref<128x128xf32, #tpu.memory_space<hbm>>
      %dma_wait3A_374 = arith.constant 0 : i32
      %dma_wait3A_375 = tpu.memref_slice %arg5[%run_scoped3A_146, %mul3A_2, %dma_wait3A_374] : memref<26x4096x128xf32, #tpu.memory_space<hbm>> -> memref<1x128x128xf32, #tpu.memory_space<hbm>>
      %dma_wait3A_376 = tpu.memref_squeeze %dma_wait3A_375 : memref<1x128x128xf32, #tpu.memory_space<hbm>> -> memref<128x128xf32, #tpu.memory_space<hbm>>
      tpu.wait_dma2 semaphore(%run_scoped3A_364 : memref<!tpu.dma_semaphore, #tpu.memory_space<semaphore_mem>>) src(%arg8 : memref<128x128xf32, #tpu.memory_space<vmem>>) dst(%dma_wait3A_376 : memref<128x128xf32, #tpu.memory_space<hbm>>)
      tpu.yield
    }) : () -> ()
    %dma_start3A_147 = arith.constant 11 : i32
    %dma_start3A_148 = arith.constant 0 : i32
    %dma_start3A_149 = tpu.memref_slice %arg6[%dma_start3A_147, %dma_start3A_148] : memref<26x128xi32, #tpu.memory_space<vmem>> -> memref<1x128xi32, #tpu.memory_space<vmem>>
    %dma_start3A_150 = tpu.memref_squeeze %dma_start3A_149 : memref<1x128xi32, #tpu.memory_space<vmem>> -> memref<128xi32, #tpu.memory_space<vmem>>
    %dma_start3A_151 = arith.constant 0 : i32
    %dma_start3A_152 = arith.constant 0 : i32
    %dma_start3A_153 = tpu.memref_slice %arg2[%dma_start3A_151, %dma_start3A_152] : memref<13000x128xf32, #tpu.memory_space<hbm>> -> memref<13000x128xf32, #tpu.memory_space<hbm>>
    tpu.enqueue_indirect_dma source(%dma_start3A_153 : memref<13000x128xf32, #tpu.memory_space<hbm>>) target(%arg8 : memref<128x128xf32, #tpu.memory_space<vmem>>) offsets(%dma_start3A_150 : memref<128xi32, #tpu.memory_space<vmem>>) semaphore(%arg10 : memref<!tpu.dma_semaphore, #tpu.memory_space<semaphore_mem>>)
    %dma_wait3A_154 = arith.constant 0 : i32
    %dma_wait3A_155 = arith.constant 0 : i32
    %dma_wait3A_156 = tpu.memref_slice %arg2[%dma_wait3A_154, %dma_wait3A_155] : memref<13000x128xf32, #tpu.memory_space<hbm>> -> memref<128x128xf32, #tpu.memory_space<hbm>>
    %dma_wait3A_157 = arith.constant 0 : i32
    %dma_wait3A_158 = arith.constant 0 : i32
    %dma_wait3A_159 = tpu.memref_slice %arg2[%dma_wait3A_157, %dma_wait3A_158] : memref<13000x128xf32, #tpu.memory_space<hbm>> -> memref<128x128xf32, #tpu.memory_space<hbm>>
    tpu.wait_dma2 semaphore(%arg9 : memref<!tpu.dma_semaphore, #tpu.memory_space<semaphore_mem>>) src(%dma_wait3A_159 : memref<128x128xf32, #tpu.memory_space<hbm>>) dst(%arg7 : memref<128x128xf32, #tpu.memory_space<vmem>>)
    %run_scoped3A_160 = arith.constant 10 : i32
    "tpu.region"() ({
      %run_scoped3A_364 = tpu.sem_alloc : memref<!tpu.dma_semaphore, #tpu.memory_space<semaphore_mem>>
      %dma_start3A_365 = arith.constant 0 : i32
      %dma_start3A_366 = tpu.memref_slice %arg5[%run_scoped3A_160, %mul3A_2, %dma_start3A_365] : memref<26x4096x128xf32, #tpu.memory_space<hbm>> -> memref<1x128x128xf32, #tpu.memory_space<hbm>>
      %dma_start3A_367 = tpu.memref_squeeze %dma_start3A_366 : memref<1x128x128xf32, #tpu.memory_space<hbm>> -> memref<128x128xf32, #tpu.memory_space<hbm>>
      %dma_start3A_368 = arith.constant 0 : i32
      %dma_start3A_369 = tpu.memref_slice %arg5[%run_scoped3A_160, %mul3A_2, %dma_start3A_368] : memref<26x4096x128xf32, #tpu.memory_space<hbm>> -> memref<1x128x128xf32, #tpu.memory_space<hbm>>
      %dma_start3A_370 = tpu.memref_squeeze %dma_start3A_369 : memref<1x128x128xf32, #tpu.memory_space<hbm>> -> memref<128x128xf32, #tpu.memory_space<hbm>>
      tpu.enqueue_dma source(%arg7 : memref<128x128xf32, #tpu.memory_space<vmem>>) target(%dma_start3A_370 : memref<128x128xf32, #tpu.memory_space<hbm>>) target_semaphore(%run_scoped3A_364 : memref<!tpu.dma_semaphore, #tpu.memory_space<semaphore_mem>>)
      %dma_wait3A_371 = arith.constant 0 : i32
      %dma_wait3A_372 = tpu.memref_slice %arg5[%run_scoped3A_160, %mul3A_2, %dma_wait3A_371] : memref<26x4096x128xf32, #tpu.memory_space<hbm>> -> memref<1x128x128xf32, #tpu.memory_space<hbm>>
      %dma_wait3A_373 = tpu.memref_squeeze %dma_wait3A_372 : memref<1x128x128xf32, #tpu.memory_space<hbm>> -> memref<128x128xf32, #tpu.memory_space<hbm>>
      %dma_wait3A_374 = arith.constant 0 : i32
      %dma_wait3A_375 = tpu.memref_slice %arg5[%run_scoped3A_160, %mul3A_2, %dma_wait3A_374] : memref<26x4096x128xf32, #tpu.memory_space<hbm>> -> memref<1x128x128xf32, #tpu.memory_space<hbm>>
      %dma_wait3A_376 = tpu.memref_squeeze %dma_wait3A_375 : memref<1x128x128xf32, #tpu.memory_space<hbm>> -> memref<128x128xf32, #tpu.memory_space<hbm>>
      tpu.wait_dma2 semaphore(%run_scoped3A_364 : memref<!tpu.dma_semaphore, #tpu.memory_space<semaphore_mem>>) src(%arg7 : memref<128x128xf32, #tpu.memory_space<vmem>>) dst(%dma_wait3A_376 : memref<128x128xf32, #tpu.memory_space<hbm>>)
      tpu.yield
    }) : () -> ()
    %dma_start3A_161 = arith.constant 12 : i32
    %dma_start3A_162 = arith.constant 0 : i32
    %dma_start3A_163 = tpu.memref_slice %arg6[%dma_start3A_161, %dma_start3A_162] : memref<26x128xi32, #tpu.memory_space<vmem>> -> memref<1x128xi32, #tpu.memory_space<vmem>>
    %dma_start3A_164 = tpu.memref_squeeze %dma_start3A_163 : memref<1x128xi32, #tpu.memory_space<vmem>> -> memref<128xi32, #tpu.memory_space<vmem>>
    %dma_start3A_165 = arith.constant 0 : i32
    %dma_start3A_166 = arith.constant 0 : i32
    %dma_start3A_167 = tpu.memref_slice %arg2[%dma_start3A_165, %dma_start3A_166] : memref<13000x128xf32, #tpu.memory_space<hbm>> -> memref<13000x128xf32, #tpu.memory_space<hbm>>
    tpu.enqueue_indirect_dma source(%dma_start3A_167 : memref<13000x128xf32, #tpu.memory_space<hbm>>) target(%arg7 : memref<128x128xf32, #tpu.memory_space<vmem>>) offsets(%dma_start3A_164 : memref<128xi32, #tpu.memory_space<vmem>>) semaphore(%arg9 : memref<!tpu.dma_semaphore, #tpu.memory_space<semaphore_mem>>)
    %dma_wait3A_168 = arith.constant 0 : i32
    %dma_wait3A_169 = arith.constant 0 : i32
    %dma_wait3A_170 = tpu.memref_slice %arg2[%dma_wait3A_168, %dma_wait3A_169] : memref<13000x128xf32, #tpu.memory_space<hbm>> -> memref<128x128xf32, #tpu.memory_space<hbm>>
    %dma_wait3A_171 = arith.constant 0 : i32
    %dma_wait3A_172 = arith.constant 0 : i32
    %dma_wait3A_173 = tpu.memref_slice %arg2[%dma_wait3A_171, %dma_wait3A_172] : memref<13000x128xf32, #tpu.memory_space<hbm>> -> memref<128x128xf32, #tpu.memory_space<hbm>>
    tpu.wait_dma2 semaphore(%arg10 : memref<!tpu.dma_semaphore, #tpu.memory_space<semaphore_mem>>) src(%dma_wait3A_173 : memref<128x128xf32, #tpu.memory_space<hbm>>) dst(%arg8 : memref<128x128xf32, #tpu.memory_space<vmem>>)
    %run_scoped3A_174 = arith.constant 11 : i32
    "tpu.region"() ({
      %run_scoped3A_364 = tpu.sem_alloc : memref<!tpu.dma_semaphore, #tpu.memory_space<semaphore_mem>>
      %dma_start3A_365 = arith.constant 0 : i32
      %dma_start3A_366 = tpu.memref_slice %arg5[%run_scoped3A_174, %mul3A_2, %dma_start3A_365] : memref<26x4096x128xf32, #tpu.memory_space<hbm>> -> memref<1x128x128xf32, #tpu.memory_space<hbm>>
      %dma_start3A_367 = tpu.memref_squeeze %dma_start3A_366 : memref<1x128x128xf32, #tpu.memory_space<hbm>> -> memref<128x128xf32, #tpu.memory_space<hbm>>
      %dma_start3A_368 = arith.constant 0 : i32
      %dma_start3A_369 = tpu.memref_slice %arg5[%run_scoped3A_174, %mul3A_2, %dma_start3A_368] : memref<26x4096x128xf32, #tpu.memory_space<hbm>> -> memref<1x128x128xf32, #tpu.memory_space<hbm>>
      %dma_start3A_370 = tpu.memref_squeeze %dma_start3A_369 : memref<1x128x128xf32, #tpu.memory_space<hbm>> -> memref<128x128xf32, #tpu.memory_space<hbm>>
      tpu.enqueue_dma source(%arg8 : memref<128x128xf32, #tpu.memory_space<vmem>>) target(%dma_start3A_370 : memref<128x128xf32, #tpu.memory_space<hbm>>) target_semaphore(%run_scoped3A_364 : memref<!tpu.dma_semaphore, #tpu.memory_space<semaphore_mem>>)
      %dma_wait3A_371 = arith.constant 0 : i32
      %dma_wait3A_372 = tpu.memref_slice %arg5[%run_scoped3A_174, %mul3A_2, %dma_wait3A_371] : memref<26x4096x128xf32, #tpu.memory_space<hbm>> -> memref<1x128x128xf32, #tpu.memory_space<hbm>>
      %dma_wait3A_373 = tpu.memref_squeeze %dma_wait3A_372 : memref<1x128x128xf32, #tpu.memory_space<hbm>> -> memref<128x128xf32, #tpu.memory_space<hbm>>
      %dma_wait3A_374 = arith.constant 0 : i32
      %dma_wait3A_375 = tpu.memref_slice %arg5[%run_scoped3A_174, %mul3A_2, %dma_wait3A_374] : memref<26x4096x128xf32, #tpu.memory_space<hbm>> -> memref<1x128x128xf32, #tpu.memory_space<hbm>>
      %dma_wait3A_376 = tpu.memref_squeeze %dma_wait3A_375 : memref<1x128x128xf32, #tpu.memory_space<hbm>> -> memref<128x128xf32, #tpu.memory_space<hbm>>
      tpu.wait_dma2 semaphore(%run_scoped3A_364 : memref<!tpu.dma_semaphore, #tpu.memory_space<semaphore_mem>>) src(%arg8 : memref<128x128xf32, #tpu.memory_space<vmem>>) dst(%dma_wait3A_376 : memref<128x128xf32, #tpu.memory_space<hbm>>)
      tpu.yield
    }) : () -> ()
    %dma_start3A_175 = arith.constant 13 : i32
    %dma_start3A_176 = arith.constant 0 : i32
    %dma_start3A_177 = tpu.memref_slice %arg6[%dma_start3A_175, %dma_start3A_176] : memref<26x128xi32, #tpu.memory_space<vmem>> -> memref<1x128xi32, #tpu.memory_space<vmem>>
    %dma_start3A_178 = tpu.memref_squeeze %dma_start3A_177 : memref<1x128xi32, #tpu.memory_space<vmem>> -> memref<128xi32, #tpu.memory_space<vmem>>
    %dma_start3A_179 = arith.constant 0 : i32
    %dma_start3A_180 = arith.constant 0 : i32
    %dma_start3A_181 = tpu.memref_slice %arg3[%dma_start3A_179, %dma_start3A_180] : memref<1331200x128xf32, #tpu.memory_space<hbm>> -> memref<1331200x128xf32, #tpu.memory_space<hbm>>
    tpu.enqueue_indirect_dma source(%dma_start3A_181 : memref<1331200x128xf32, #tpu.memory_space<hbm>>) target(%arg8 : memref<128x128xf32, #tpu.memory_space<vmem>>) offsets(%dma_start3A_178 : memref<128xi32, #tpu.memory_space<vmem>>) semaphore(%arg10 : memref<!tpu.dma_semaphore, #tpu.memory_space<semaphore_mem>>)
    %dma_wait3A_182 = arith.constant 0 : i32
    %dma_wait3A_183 = arith.constant 0 : i32
    %dma_wait3A_184 = tpu.memref_slice %arg2[%dma_wait3A_182, %dma_wait3A_183] : memref<13000x128xf32, #tpu.memory_space<hbm>> -> memref<128x128xf32, #tpu.memory_space<hbm>>
    %dma_wait3A_185 = arith.constant 0 : i32
    %dma_wait3A_186 = arith.constant 0 : i32
    %dma_wait3A_187 = tpu.memref_slice %arg2[%dma_wait3A_185, %dma_wait3A_186] : memref<13000x128xf32, #tpu.memory_space<hbm>> -> memref<128x128xf32, #tpu.memory_space<hbm>>
    tpu.wait_dma2 semaphore(%arg9 : memref<!tpu.dma_semaphore, #tpu.memory_space<semaphore_mem>>) src(%dma_wait3A_187 : memref<128x128xf32, #tpu.memory_space<hbm>>) dst(%arg7 : memref<128x128xf32, #tpu.memory_space<vmem>>)
    %run_scoped3A_188 = arith.constant 12 : i32
    "tpu.region"() ({
      %run_scoped3A_364 = tpu.sem_alloc : memref<!tpu.dma_semaphore, #tpu.memory_space<semaphore_mem>>
      %dma_start3A_365 = arith.constant 0 : i32
      %dma_start3A_366 = tpu.memref_slice %arg5[%run_scoped3A_188, %mul3A_2, %dma_start3A_365] : memref<26x4096x128xf32, #tpu.memory_space<hbm>> -> memref<1x128x128xf32, #tpu.memory_space<hbm>>
      %dma_start3A_367 = tpu.memref_squeeze %dma_start3A_366 : memref<1x128x128xf32, #tpu.memory_space<hbm>> -> memref<128x128xf32, #tpu.memory_space<hbm>>
      %dma_start3A_368 = arith.constant 0 : i32
      %dma_start3A_369 = tpu.memref_slice %arg5[%run_scoped3A_188, %mul3A_2, %dma_start3A_368] : memref<26x4096x128xf32, #tpu.memory_space<hbm>> -> memref<1x128x128xf32, #tpu.memory_space<hbm>>
      %dma_start3A_370 = tpu.memref_squeeze %dma_start3A_369 : memref<1x128x128xf32, #tpu.memory_space<hbm>> -> memref<128x128xf32, #tpu.memory_space<hbm>>
      tpu.enqueue_dma source(%arg7 : memref<128x128xf32, #tpu.memory_space<vmem>>) target(%dma_start3A_370 : memref<128x128xf32, #tpu.memory_space<hbm>>) target_semaphore(%run_scoped3A_364 : memref<!tpu.dma_semaphore, #tpu.memory_space<semaphore_mem>>)
      %dma_wait3A_371 = arith.constant 0 : i32
      %dma_wait3A_372 = tpu.memref_slice %arg5[%run_scoped3A_188, %mul3A_2, %dma_wait3A_371] : memref<26x4096x128xf32, #tpu.memory_space<hbm>> -> memref<1x128x128xf32, #tpu.memory_space<hbm>>
      %dma_wait3A_373 = tpu.memref_squeeze %dma_wait3A_372 : memref<1x128x128xf32, #tpu.memory_space<hbm>> -> memref<128x128xf32, #tpu.memory_space<hbm>>
      %dma_wait3A_374 = arith.constant 0 : i32
      %dma_wait3A_375 = tpu.memref_slice %arg5[%run_scoped3A_188, %mul3A_2, %dma_wait3A_374] : memref<26x4096x128xf32, #tpu.memory_space<hbm>> -> memref<1x128x128xf32, #tpu.memory_space<hbm>>
      %dma_wait3A_376 = tpu.memref_squeeze %dma_wait3A_375 : memref<1x128x128xf32, #tpu.memory_space<hbm>> -> memref<128x128xf32, #tpu.memory_space<hbm>>
      tpu.wait_dma2 semaphore(%run_scoped3A_364 : memref<!tpu.dma_semaphore, #tpu.memory_space<semaphore_mem>>) src(%arg7 : memref<128x128xf32, #tpu.memory_space<vmem>>) dst(%dma_wait3A_376 : memref<128x128xf32, #tpu.memory_space<hbm>>)
      tpu.yield
    }) : () -> ()
    %dma_start3A_189 = arith.constant 14 : i32
    %dma_start3A_190 = arith.constant 0 : i32
    %dma_start3A_191 = tpu.memref_slice %arg6[%dma_start3A_189, %dma_start3A_190] : memref<26x128xi32, #tpu.memory_space<vmem>> -> memref<1x128xi32, #tpu.memory_space<vmem>>
    %dma_start3A_192 = tpu.memref_squeeze %dma_start3A_191 : memref<1x128xi32, #tpu.memory_space<vmem>> -> memref<128xi32, #tpu.memory_space<vmem>>
    %dma_start3A_193 = arith.constant 0 : i32
    %dma_start3A_194 = arith.constant 0 : i32
    %dma_start3A_195 = tpu.memref_slice %arg3[%dma_start3A_193, %dma_start3A_194] : memref<1331200x128xf32, #tpu.memory_space<hbm>> -> memref<1331200x128xf32, #tpu.memory_space<hbm>>
    tpu.enqueue_indirect_dma source(%dma_start3A_195 : memref<1331200x128xf32, #tpu.memory_space<hbm>>) target(%arg7 : memref<128x128xf32, #tpu.memory_space<vmem>>) offsets(%dma_start3A_192 : memref<128xi32, #tpu.memory_space<vmem>>) semaphore(%arg9 : memref<!tpu.dma_semaphore, #tpu.memory_space<semaphore_mem>>)
    %dma_wait3A_196 = arith.constant 0 : i32
    %dma_wait3A_197 = arith.constant 0 : i32
    %dma_wait3A_198 = tpu.memref_slice %arg2[%dma_wait3A_196, %dma_wait3A_197] : memref<13000x128xf32, #tpu.memory_space<hbm>> -> memref<128x128xf32, #tpu.memory_space<hbm>>
    %dma_wait3A_199 = arith.constant 0 : i32
    %dma_wait3A_200 = arith.constant 0 : i32
    %dma_wait3A_201 = tpu.memref_slice %arg2[%dma_wait3A_199, %dma_wait3A_200] : memref<13000x128xf32, #tpu.memory_space<hbm>> -> memref<128x128xf32, #tpu.memory_space<hbm>>
    tpu.wait_dma2 semaphore(%arg10 : memref<!tpu.dma_semaphore, #tpu.memory_space<semaphore_mem>>) src(%dma_wait3A_201 : memref<128x128xf32, #tpu.memory_space<hbm>>) dst(%arg8 : memref<128x128xf32, #tpu.memory_space<vmem>>)
    %run_scoped3A_202 = arith.constant 13 : i32
    "tpu.region"() ({
      %run_scoped3A_364 = tpu.sem_alloc : memref<!tpu.dma_semaphore, #tpu.memory_space<semaphore_mem>>
      %dma_start3A_365 = arith.constant 0 : i32
      %dma_start3A_366 = tpu.memref_slice %arg5[%run_scoped3A_202, %mul3A_2, %dma_start3A_365] : memref<26x4096x128xf32, #tpu.memory_space<hbm>> -> memref<1x128x128xf32, #tpu.memory_space<hbm>>
      %dma_start3A_367 = tpu.memref_squeeze %dma_start3A_366 : memref<1x128x128xf32, #tpu.memory_space<hbm>> -> memref<128x128xf32, #tpu.memory_space<hbm>>
      %dma_start3A_368 = arith.constant 0 : i32
      %dma_start3A_369 = tpu.memref_slice %arg5[%run_scoped3A_202, %mul3A_2, %dma_start3A_368] : memref<26x4096x128xf32, #tpu.memory_space<hbm>> -> memref<1x128x128xf32, #tpu.memory_space<hbm>>
      %dma_start3A_370 = tpu.memref_squeeze %dma_start3A_369 : memref<1x128x128xf32, #tpu.memory_space<hbm>> -> memref<128x128xf32, #tpu.memory_space<hbm>>
      tpu.enqueue_dma source(%arg8 : memref<128x128xf32, #tpu.memory_space<vmem>>) target(%dma_start3A_370 : memref<128x128xf32, #tpu.memory_space<hbm>>) target_semaphore(%run_scoped3A_364 : memref<!tpu.dma_semaphore, #tpu.memory_space<semaphore_mem>>)
      %dma_wait3A_371 = arith.constant 0 : i32
      %dma_wait3A_372 = tpu.memref_slice %arg5[%run_scoped3A_202, %mul3A_2, %dma_wait3A_371] : memref<26x4096x128xf32, #tpu.memory_space<hbm>> -> memref<1x128x128xf32, #tpu.memory_space<hbm>>
      %dma_wait3A_373 = tpu.memref_squeeze %dma_wait3A_372 : memref<1x128x128xf32, #tpu.memory_space<hbm>> -> memref<128x128xf32, #tpu.memory_space<hbm>>
      %dma_wait3A_374 = arith.constant 0 : i32
      %dma_wait3A_375 = tpu.memref_slice %arg5[%run_scoped3A_202, %mul3A_2, %dma_wait3A_374] : memref<26x4096x128xf32, #tpu.memory_space<hbm>> -> memref<1x128x128xf32, #tpu.memory_space<hbm>>
      %dma_wait3A_376 = tpu.memref_squeeze %dma_wait3A_375 : memref<1x128x128xf32, #tpu.memory_space<hbm>> -> memref<128x128xf32, #tpu.memory_space<hbm>>
      tpu.wait_dma2 semaphore(%run_scoped3A_364 : memref<!tpu.dma_semaphore, #tpu.memory_space<semaphore_mem>>) src(%arg8 : memref<128x128xf32, #tpu.memory_space<vmem>>) dst(%dma_wait3A_376 : memref<128x128xf32, #tpu.memory_space<hbm>>)
      tpu.yield
    }) : () -> ()
    %dma_start3A_203 = arith.constant 15 : i32
    %dma_start3A_204 = arith.constant 0 : i32
    %dma_start3A_205 = tpu.memref_slice %arg6[%dma_start3A_203, %dma_start3A_204] : memref<26x128xi32, #tpu.memory_space<vmem>> -> memref<1x128xi32, #tpu.memory_space<vmem>>
    %dma_start3A_206 = tpu.memref_squeeze %dma_start3A_205 : memref<1x128xi32, #tpu.memory_space<vmem>> -> memref<128xi32, #tpu.memory_space<vmem>>
    %dma_start3A_207 = arith.constant 0 : i32
    %dma_start3A_208 = arith.constant 0 : i32
    %dma_start3A_209 = tpu.memref_slice %arg3[%dma_start3A_207, %dma_start3A_208] : memref<1331200x128xf32, #tpu.memory_space<hbm>> -> memref<1331200x128xf32, #tpu.memory_space<hbm>>
    tpu.enqueue_indirect_dma source(%dma_start3A_209 : memref<1331200x128xf32, #tpu.memory_space<hbm>>) target(%arg8 : memref<128x128xf32, #tpu.memory_space<vmem>>) offsets(%dma_start3A_206 : memref<128xi32, #tpu.memory_space<vmem>>) semaphore(%arg10 : memref<!tpu.dma_semaphore, #tpu.memory_space<semaphore_mem>>)
    %dma_wait3A_210 = arith.constant 0 : i32
    %dma_wait3A_211 = arith.constant 0 : i32
    %dma_wait3A_212 = tpu.memref_slice %arg2[%dma_wait3A_210, %dma_wait3A_211] : memref<13000x128xf32, #tpu.memory_space<hbm>> -> memref<128x128xf32, #tpu.memory_space<hbm>>
    %dma_wait3A_213 = arith.constant 0 : i32
    %dma_wait3A_214 = arith.constant 0 : i32
    %dma_wait3A_215 = tpu.memref_slice %arg2[%dma_wait3A_213, %dma_wait3A_214] : memref<13000x128xf32, #tpu.memory_space<hbm>> -> memref<128x128xf32, #tpu.memory_space<hbm>>
    tpu.wait_dma2 semaphore(%arg9 : memref<!tpu.dma_semaphore, #tpu.memory_space<semaphore_mem>>) src(%dma_wait3A_215 : memref<128x128xf32, #tpu.memory_space<hbm>>) dst(%arg7 : memref<128x128xf32, #tpu.memory_space<vmem>>)
    %run_scoped3A_216 = arith.constant 14 : i32
    "tpu.region"() ({
      %run_scoped3A_364 = tpu.sem_alloc : memref<!tpu.dma_semaphore, #tpu.memory_space<semaphore_mem>>
      %dma_start3A_365 = arith.constant 0 : i32
      %dma_start3A_366 = tpu.memref_slice %arg5[%run_scoped3A_216, %mul3A_2, %dma_start3A_365] : memref<26x4096x128xf32, #tpu.memory_space<hbm>> -> memref<1x128x128xf32, #tpu.memory_space<hbm>>
      %dma_start3A_367 = tpu.memref_squeeze %dma_start3A_366 : memref<1x128x128xf32, #tpu.memory_space<hbm>> -> memref<128x128xf32, #tpu.memory_space<hbm>>
      %dma_start3A_368 = arith.constant 0 : i32
      %dma_start3A_369 = tpu.memref_slice %arg5[%run_scoped3A_216, %mul3A_2, %dma_start3A_368] : memref<26x4096x128xf32, #tpu.memory_space<hbm>> -> memref<1x128x128xf32, #tpu.memory_space<hbm>>
      %dma_start3A_370 = tpu.memref_squeeze %dma_start3A_369 : memref<1x128x128xf32, #tpu.memory_space<hbm>> -> memref<128x128xf32, #tpu.memory_space<hbm>>
      tpu.enqueue_dma source(%arg7 : memref<128x128xf32, #tpu.memory_space<vmem>>) target(%dma_start3A_370 : memref<128x128xf32, #tpu.memory_space<hbm>>) target_semaphore(%run_scoped3A_364 : memref<!tpu.dma_semaphore, #tpu.memory_space<semaphore_mem>>)
      %dma_wait3A_371 = arith.constant 0 : i32
      %dma_wait3A_372 = tpu.memref_slice %arg5[%run_scoped3A_216, %mul3A_2, %dma_wait3A_371] : memref<26x4096x128xf32, #tpu.memory_space<hbm>> -> memref<1x128x128xf32, #tpu.memory_space<hbm>>
      %dma_wait3A_373 = tpu.memref_squeeze %dma_wait3A_372 : memref<1x128x128xf32, #tpu.memory_space<hbm>> -> memref<128x128xf32, #tpu.memory_space<hbm>>
      %dma_wait3A_374 = arith.constant 0 : i32
      %dma_wait3A_375 = tpu.memref_slice %arg5[%run_scoped3A_216, %mul3A_2, %dma_wait3A_374] : memref<26x4096x128xf32, #tpu.memory_space<hbm>> -> memref<1x128x128xf32, #tpu.memory_space<hbm>>
      %dma_wait3A_376 = tpu.memref_squeeze %dma_wait3A_375 : memref<1x128x128xf32, #tpu.memory_space<hbm>> -> memref<128x128xf32, #tpu.memory_space<hbm>>
      tpu.wait_dma2 semaphore(%run_scoped3A_364 : memref<!tpu.dma_semaphore, #tpu.memory_space<semaphore_mem>>) src(%arg7 : memref<128x128xf32, #tpu.memory_space<vmem>>) dst(%dma_wait3A_376 : memref<128x128xf32, #tpu.memory_space<hbm>>)
      tpu.yield
    }) : () -> ()
    %dma_start3A_217 = arith.constant 16 : i32
    %dma_start3A_218 = arith.constant 0 : i32
    %dma_start3A_219 = tpu.memref_slice %arg6[%dma_start3A_217, %dma_start3A_218] : memref<26x128xi32, #tpu.memory_space<vmem>> -> memref<1x128xi32, #tpu.memory_space<vmem>>
    %dma_start3A_220 = tpu.memref_squeeze %dma_start3A_219 : memref<1x128xi32, #tpu.memory_space<vmem>> -> memref<128xi32, #tpu.memory_space<vmem>>
    %dma_start3A_221 = arith.constant 0 : i32
    %dma_start3A_222 = arith.constant 0 : i32
    %dma_start3A_223 = tpu.memref_slice %arg3[%dma_start3A_221, %dma_start3A_222] : memref<1331200x128xf32, #tpu.memory_space<hbm>> -> memref<1331200x128xf32, #tpu.memory_space<hbm>>
    tpu.enqueue_indirect_dma source(%dma_start3A_223 : memref<1331200x128xf32, #tpu.memory_space<hbm>>) target(%arg7 : memref<128x128xf32, #tpu.memory_space<vmem>>) offsets(%dma_start3A_220 : memref<128xi32, #tpu.memory_space<vmem>>) semaphore(%arg9 : memref<!tpu.dma_semaphore, #tpu.memory_space<semaphore_mem>>)
    %dma_wait3A_224 = arith.constant 0 : i32
    %dma_wait3A_225 = arith.constant 0 : i32
    %dma_wait3A_226 = tpu.memref_slice %arg2[%dma_wait3A_224, %dma_wait3A_225] : memref<13000x128xf32, #tpu.memory_space<hbm>> -> memref<128x128xf32, #tpu.memory_space<hbm>>
    %dma_wait3A_227 = arith.constant 0 : i32
    %dma_wait3A_228 = arith.constant 0 : i32
    %dma_wait3A_229 = tpu.memref_slice %arg2[%dma_wait3A_227, %dma_wait3A_228] : memref<13000x128xf32, #tpu.memory_space<hbm>> -> memref<128x128xf32, #tpu.memory_space<hbm>>
    tpu.wait_dma2 semaphore(%arg10 : memref<!tpu.dma_semaphore, #tpu.memory_space<semaphore_mem>>) src(%dma_wait3A_229 : memref<128x128xf32, #tpu.memory_space<hbm>>) dst(%arg8 : memref<128x128xf32, #tpu.memory_space<vmem>>)
    %run_scoped3A_230 = arith.constant 15 : i32
    "tpu.region"() ({
      %run_scoped3A_364 = tpu.sem_alloc : memref<!tpu.dma_semaphore, #tpu.memory_space<semaphore_mem>>
      %dma_start3A_365 = arith.constant 0 : i32
      %dma_start3A_366 = tpu.memref_slice %arg5[%run_scoped3A_230, %mul3A_2, %dma_start3A_365] : memref<26x4096x128xf32, #tpu.memory_space<hbm>> -> memref<1x128x128xf32, #tpu.memory_space<hbm>>
      %dma_start3A_367 = tpu.memref_squeeze %dma_start3A_366 : memref<1x128x128xf32, #tpu.memory_space<hbm>> -> memref<128x128xf32, #tpu.memory_space<hbm>>
      %dma_start3A_368 = arith.constant 0 : i32
      %dma_start3A_369 = tpu.memref_slice %arg5[%run_scoped3A_230, %mul3A_2, %dma_start3A_368] : memref<26x4096x128xf32, #tpu.memory_space<hbm>> -> memref<1x128x128xf32, #tpu.memory_space<hbm>>
      %dma_start3A_370 = tpu.memref_squeeze %dma_start3A_369 : memref<1x128x128xf32, #tpu.memory_space<hbm>> -> memref<128x128xf32, #tpu.memory_space<hbm>>
      tpu.enqueue_dma source(%arg8 : memref<128x128xf32, #tpu.memory_space<vmem>>) target(%dma_start3A_370 : memref<128x128xf32, #tpu.memory_space<hbm>>) target_semaphore(%run_scoped3A_364 : memref<!tpu.dma_semaphore, #tpu.memory_space<semaphore_mem>>)
      %dma_wait3A_371 = arith.constant 0 : i32
      %dma_wait3A_372 = tpu.memref_slice %arg5[%run_scoped3A_230, %mul3A_2, %dma_wait3A_371] : memref<26x4096x128xf32, #tpu.memory_space<hbm>> -> memref<1x128x128xf32, #tpu.memory_space<hbm>>
      %dma_wait3A_373 = tpu.memref_squeeze %dma_wait3A_372 : memref<1x128x128xf32, #tpu.memory_space<hbm>> -> memref<128x128xf32, #tpu.memory_space<hbm>>
      %dma_wait3A_374 = arith.constant 0 : i32
      %dma_wait3A_375 = tpu.memref_slice %arg5[%run_scoped3A_230, %mul3A_2, %dma_wait3A_374] : memref<26x4096x128xf32, #tpu.memory_space<hbm>> -> memref<1x128x128xf32, #tpu.memory_space<hbm>>
      %dma_wait3A_376 = tpu.memref_squeeze %dma_wait3A_375 : memref<1x128x128xf32, #tpu.memory_space<hbm>> -> memref<128x128xf32, #tpu.memory_space<hbm>>
      tpu.wait_dma2 semaphore(%run_scoped3A_364 : memref<!tpu.dma_semaphore, #tpu.memory_space<semaphore_mem>>) src(%arg8 : memref<128x128xf32, #tpu.memory_space<vmem>>) dst(%dma_wait3A_376 : memref<128x128xf32, #tpu.memory_space<hbm>>)
      tpu.yield
    }) : () -> ()
    %dma_start3A_231 = arith.constant 17 : i32
    %dma_start3A_232 = arith.constant 0 : i32
    %dma_start3A_233 = tpu.memref_slice %arg6[%dma_start3A_231, %dma_start3A_232] : memref<26x128xi32, #tpu.memory_space<vmem>> -> memref<1x128xi32, #tpu.memory_space<vmem>>
    %dma_start3A_234 = tpu.memref_squeeze %dma_start3A_233 : memref<1x128xi32, #tpu.memory_space<vmem>> -> memref<128xi32, #tpu.memory_space<vmem>>
    %dma_start3A_235 = arith.constant 0 : i32
    %dma_start3A_236 = arith.constant 0 : i32
    %dma_start3A_237 = tpu.memref_slice %arg3[%dma_start3A_235, %dma_start3A_236] : memref<1331200x128xf32, #tpu.memory_space<hbm>> -> memref<1331200x128xf32, #tpu.memory_space<hbm>>
    tpu.enqueue_indirect_dma source(%dma_start3A_237 : memref<1331200x128xf32, #tpu.memory_space<hbm>>) target(%arg8 : memref<128x128xf32, #tpu.memory_space<vmem>>) offsets(%dma_start3A_234 : memref<128xi32, #tpu.memory_space<vmem>>) semaphore(%arg10 : memref<!tpu.dma_semaphore, #tpu.memory_space<semaphore_mem>>)
    %dma_wait3A_238 = arith.constant 0 : i32
    %dma_wait3A_239 = arith.constant 0 : i32
    %dma_wait3A_240 = tpu.memref_slice %arg2[%dma_wait3A_238, %dma_wait3A_239] : memref<13000x128xf32, #tpu.memory_space<hbm>> -> memref<128x128xf32, #tpu.memory_space<hbm>>
    %dma_wait3A_241 = arith.constant 0 : i32
    %dma_wait3A_242 = arith.constant 0 : i32
    %dma_wait3A_243 = tpu.memref_slice %arg2[%dma_wait3A_241, %dma_wait3A_242] : memref<13000x128xf32, #tpu.memory_space<hbm>> -> memref<128x128xf32, #tpu.memory_space<hbm>>
    tpu.wait_dma2 semaphore(%arg9 : memref<!tpu.dma_semaphore, #tpu.memory_space<semaphore_mem>>) src(%dma_wait3A_243 : memref<128x128xf32, #tpu.memory_space<hbm>>) dst(%arg7 : memref<128x128xf32, #tpu.memory_space<vmem>>)
    %run_scoped3A_244 = arith.constant 16 : i32
    "tpu.region"() ({
      %run_scoped3A_364 = tpu.sem_alloc : memref<!tpu.dma_semaphore, #tpu.memory_space<semaphore_mem>>
      %dma_start3A_365 = arith.constant 0 : i32
      %dma_start3A_366 = tpu.memref_slice %arg5[%run_scoped3A_244, %mul3A_2, %dma_start3A_365] : memref<26x4096x128xf32, #tpu.memory_space<hbm>> -> memref<1x128x128xf32, #tpu.memory_space<hbm>>
      %dma_start3A_367 = tpu.memref_squeeze %dma_start3A_366 : memref<1x128x128xf32, #tpu.memory_space<hbm>> -> memref<128x128xf32, #tpu.memory_space<hbm>>
      %dma_start3A_368 = arith.constant 0 : i32
      %dma_start3A_369 = tpu.memref_slice %arg5[%run_scoped3A_244, %mul3A_2, %dma_start3A_368] : memref<26x4096x128xf32, #tpu.memory_space<hbm>> -> memref<1x128x128xf32, #tpu.memory_space<hbm>>
      %dma_start3A_370 = tpu.memref_squeeze %dma_start3A_369 : memref<1x128x128xf32, #tpu.memory_space<hbm>> -> memref<128x128xf32, #tpu.memory_space<hbm>>
      tpu.enqueue_dma source(%arg7 : memref<128x128xf32, #tpu.memory_space<vmem>>) target(%dma_start3A_370 : memref<128x128xf32, #tpu.memory_space<hbm>>) target_semaphore(%run_scoped3A_364 : memref<!tpu.dma_semaphore, #tpu.memory_space<semaphore_mem>>)
      %dma_wait3A_371 = arith.constant 0 : i32
      %dma_wait3A_372 = tpu.memref_slice %arg5[%run_scoped3A_244, %mul3A_2, %dma_wait3A_371] : memref<26x4096x128xf32, #tpu.memory_space<hbm>> -> memref<1x128x128xf32, #tpu.memory_space<hbm>>
      %dma_wait3A_373 = tpu.memref_squeeze %dma_wait3A_372 : memref<1x128x128xf32, #tpu.memory_space<hbm>> -> memref<128x128xf32, #tpu.memory_space<hbm>>
      %dma_wait3A_374 = arith.constant 0 : i32
      %dma_wait3A_375 = tpu.memref_slice %arg5[%run_scoped3A_244, %mul3A_2, %dma_wait3A_374] : memref<26x4096x128xf32, #tpu.memory_space<hbm>> -> memref<1x128x128xf32, #tpu.memory_space<hbm>>
      %dma_wait3A_376 = tpu.memref_squeeze %dma_wait3A_375 : memref<1x128x128xf32, #tpu.memory_space<hbm>> -> memref<128x128xf32, #tpu.memory_space<hbm>>
      tpu.wait_dma2 semaphore(%run_scoped3A_364 : memref<!tpu.dma_semaphore, #tpu.memory_space<semaphore_mem>>) src(%arg7 : memref<128x128xf32, #tpu.memory_space<vmem>>) dst(%dma_wait3A_376 : memref<128x128xf32, #tpu.memory_space<hbm>>)
      tpu.yield
    }) : () -> ()
    %dma_start3A_245 = arith.constant 18 : i32
    %dma_start3A_246 = arith.constant 0 : i32
    %dma_start3A_247 = tpu.memref_slice %arg6[%dma_start3A_245, %dma_start3A_246] : memref<26x128xi32, #tpu.memory_space<vmem>> -> memref<1x128xi32, #tpu.memory_space<vmem>>
    %dma_start3A_248 = tpu.memref_squeeze %dma_start3A_247 : memref<1x128xi32, #tpu.memory_space<vmem>> -> memref<128xi32, #tpu.memory_space<vmem>>
    %dma_start3A_249 = arith.constant 0 : i32
    %dma_start3A_250 = arith.constant 0 : i32
    %dma_start3A_251 = tpu.memref_slice %arg3[%dma_start3A_249, %dma_start3A_250] : memref<1331200x128xf32, #tpu.memory_space<hbm>> -> memref<1331200x128xf32, #tpu.memory_space<hbm>>
    tpu.enqueue_indirect_dma source(%dma_start3A_251 : memref<1331200x128xf32, #tpu.memory_space<hbm>>) target(%arg7 : memref<128x128xf32, #tpu.memory_space<vmem>>) offsets(%dma_start3A_248 : memref<128xi32, #tpu.memory_space<vmem>>) semaphore(%arg9 : memref<!tpu.dma_semaphore, #tpu.memory_space<semaphore_mem>>)
    %dma_wait3A_252 = arith.constant 0 : i32
    %dma_wait3A_253 = arith.constant 0 : i32
    %dma_wait3A_254 = tpu.memref_slice %arg2[%dma_wait3A_252, %dma_wait3A_253] : memref<13000x128xf32, #tpu.memory_space<hbm>> -> memref<128x128xf32, #tpu.memory_space<hbm>>
    %dma_wait3A_255 = arith.constant 0 : i32
    %dma_wait3A_256 = arith.constant 0 : i32
    %dma_wait3A_257 = tpu.memref_slice %arg2[%dma_wait3A_255, %dma_wait3A_256] : memref<13000x128xf32, #tpu.memory_space<hbm>> -> memref<128x128xf32, #tpu.memory_space<hbm>>
    tpu.wait_dma2 semaphore(%arg10 : memref<!tpu.dma_semaphore, #tpu.memory_space<semaphore_mem>>) src(%dma_wait3A_257 : memref<128x128xf32, #tpu.memory_space<hbm>>) dst(%arg8 : memref<128x128xf32, #tpu.memory_space<vmem>>)
    %run_scoped3A_258 = arith.constant 17 : i32
    "tpu.region"() ({
      %run_scoped3A_364 = tpu.sem_alloc : memref<!tpu.dma_semaphore, #tpu.memory_space<semaphore_mem>>
      %dma_start3A_365 = arith.constant 0 : i32
      %dma_start3A_366 = tpu.memref_slice %arg5[%run_scoped3A_258, %mul3A_2, %dma_start3A_365] : memref<26x4096x128xf32, #tpu.memory_space<hbm>> -> memref<1x128x128xf32, #tpu.memory_space<hbm>>
      %dma_start3A_367 = tpu.memref_squeeze %dma_start3A_366 : memref<1x128x128xf32, #tpu.memory_space<hbm>> -> memref<128x128xf32, #tpu.memory_space<hbm>>
      %dma_start3A_368 = arith.constant 0 : i32
      %dma_start3A_369 = tpu.memref_slice %arg5[%run_scoped3A_258, %mul3A_2, %dma_start3A_368] : memref<26x4096x128xf32, #tpu.memory_space<hbm>> -> memref<1x128x128xf32, #tpu.memory_space<hbm>>
      %dma_start3A_370 = tpu.memref_squeeze %dma_start3A_369 : memref<1x128x128xf32, #tpu.memory_space<hbm>> -> memref<128x128xf32, #tpu.memory_space<hbm>>
      tpu.enqueue_dma source(%arg8 : memref<128x128xf32, #tpu.memory_space<vmem>>) target(%dma_start3A_370 : memref<128x128xf32, #tpu.memory_space<hbm>>) target_semaphore(%run_scoped3A_364 : memref<!tpu.dma_semaphore, #tpu.memory_space<semaphore_mem>>)
      %dma_wait3A_371 = arith.constant 0 : i32
      %dma_wait3A_372 = tpu.memref_slice %arg5[%run_scoped3A_258, %mul3A_2, %dma_wait3A_371] : memref<26x4096x128xf32, #tpu.memory_space<hbm>> -> memref<1x128x128xf32, #tpu.memory_space<hbm>>
      %dma_wait3A_373 = tpu.memref_squeeze %dma_wait3A_372 : memref<1x128x128xf32, #tpu.memory_space<hbm>> -> memref<128x128xf32, #tpu.memory_space<hbm>>
      %dma_wait3A_374 = arith.constant 0 : i32
      %dma_wait3A_375 = tpu.memref_slice %arg5[%run_scoped3A_258, %mul3A_2, %dma_wait3A_374] : memref<26x4096x128xf32, #tpu.memory_space<hbm>> -> memref<1x128x128xf32, #tpu.memory_space<hbm>>
      %dma_wait3A_376 = tpu.memref_squeeze %dma_wait3A_375 : memref<1x128x128xf32, #tpu.memory_space<hbm>> -> memref<128x128xf32, #tpu.memory_space<hbm>>
      tpu.wait_dma2 semaphore(%run_scoped3A_364 : memref<!tpu.dma_semaphore, #tpu.memory_space<semaphore_mem>>) src(%arg8 : memref<128x128xf32, #tpu.memory_space<vmem>>) dst(%dma_wait3A_376 : memref<128x128xf32, #tpu.memory_space<hbm>>)
      tpu.yield
    }) : () -> ()
    %dma_start3A_259 = arith.constant 19 : i32
    %dma_start3A_260 = arith.constant 0 : i32
    %dma_start3A_261 = tpu.memref_slice %arg6[%dma_start3A_259, %dma_start3A_260] : memref<26x128xi32, #tpu.memory_space<vmem>> -> memref<1x128xi32, #tpu.memory_space<vmem>>
    %dma_start3A_262 = tpu.memref_squeeze %dma_start3A_261 : memref<1x128xi32, #tpu.memory_space<vmem>> -> memref<128xi32, #tpu.memory_space<vmem>>
    %dma_start3A_263 = arith.constant 0 : i32
    %dma_start3A_264 = arith.constant 0 : i32
    %dma_start3A_265 = tpu.memref_slice %arg3[%dma_start3A_263, %dma_start3A_264] : memref<1331200x128xf32, #tpu.memory_space<hbm>> -> memref<1331200x128xf32, #tpu.memory_space<hbm>>
    tpu.enqueue_indirect_dma source(%dma_start3A_265 : memref<1331200x128xf32, #tpu.memory_space<hbm>>) target(%arg8 : memref<128x128xf32, #tpu.memory_space<vmem>>) offsets(%dma_start3A_262 : memref<128xi32, #tpu.memory_space<vmem>>) semaphore(%arg10 : memref<!tpu.dma_semaphore, #tpu.memory_space<semaphore_mem>>)
    %dma_wait3A_266 = arith.constant 0 : i32
    %dma_wait3A_267 = arith.constant 0 : i32
    %dma_wait3A_268 = tpu.memref_slice %arg2[%dma_wait3A_266, %dma_wait3A_267] : memref<13000x128xf32, #tpu.memory_space<hbm>> -> memref<128x128xf32, #tpu.memory_space<hbm>>
    %dma_wait3A_269 = arith.constant 0 : i32
    %dma_wait3A_270 = arith.constant 0 : i32
    %dma_wait3A_271 = tpu.memref_slice %arg2[%dma_wait3A_269, %dma_wait3A_270] : memref<13000x128xf32, #tpu.memory_space<hbm>> -> memref<128x128xf32, #tpu.memory_space<hbm>>
    tpu.wait_dma2 semaphore(%arg9 : memref<!tpu.dma_semaphore, #tpu.memory_space<semaphore_mem>>) src(%dma_wait3A_271 : memref<128x128xf32, #tpu.memory_space<hbm>>) dst(%arg7 : memref<128x128xf32, #tpu.memory_space<vmem>>)
    %run_scoped3A_272 = arith.constant 18 : i32
    "tpu.region"() ({
      %run_scoped3A_364 = tpu.sem_alloc : memref<!tpu.dma_semaphore, #tpu.memory_space<semaphore_mem>>
      %dma_start3A_365 = arith.constant 0 : i32
      %dma_start3A_366 = tpu.memref_slice %arg5[%run_scoped3A_272, %mul3A_2, %dma_start3A_365] : memref<26x4096x128xf32, #tpu.memory_space<hbm>> -> memref<1x128x128xf32, #tpu.memory_space<hbm>>
      %dma_start3A_367 = tpu.memref_squeeze %dma_start3A_366 : memref<1x128x128xf32, #tpu.memory_space<hbm>> -> memref<128x128xf32, #tpu.memory_space<hbm>>
      %dma_start3A_368 = arith.constant 0 : i32
      %dma_start3A_369 = tpu.memref_slice %arg5[%run_scoped3A_272, %mul3A_2, %dma_start3A_368] : memref<26x4096x128xf32, #tpu.memory_space<hbm>> -> memref<1x128x128xf32, #tpu.memory_space<hbm>>
      %dma_start3A_370 = tpu.memref_squeeze %dma_start3A_369 : memref<1x128x128xf32, #tpu.memory_space<hbm>> -> memref<128x128xf32, #tpu.memory_space<hbm>>
      tpu.enqueue_dma source(%arg7 : memref<128x128xf32, #tpu.memory_space<vmem>>) target(%dma_start3A_370 : memref<128x128xf32, #tpu.memory_space<hbm>>) target_semaphore(%run_scoped3A_364 : memref<!tpu.dma_semaphore, #tpu.memory_space<semaphore_mem>>)
      %dma_wait3A_371 = arith.constant 0 : i32
      %dma_wait3A_372 = tpu.memref_slice %arg5[%run_scoped3A_272, %mul3A_2, %dma_wait3A_371] : memref<26x4096x128xf32, #tpu.memory_space<hbm>> -> memref<1x128x128xf32, #tpu.memory_space<hbm>>
      %dma_wait3A_373 = tpu.memref_squeeze %dma_wait3A_372 : memref<1x128x128xf32, #tpu.memory_space<hbm>> -> memref<128x128xf32, #tpu.memory_space<hbm>>
      %dma_wait3A_374 = arith.constant 0 : i32
      %dma_wait3A_375 = tpu.memref_slice %arg5[%run_scoped3A_272, %mul3A_2, %dma_wait3A_374] : memref<26x4096x128xf32, #tpu.memory_space<hbm>> -> memref<1x128x128xf32, #tpu.memory_space<hbm>>
      %dma_wait3A_376 = tpu.memref_squeeze %dma_wait3A_375 : memref<1x128x128xf32, #tpu.memory_space<hbm>> -> memref<128x128xf32, #tpu.memory_space<hbm>>
      tpu.wait_dma2 semaphore(%run_scoped3A_364 : memref<!tpu.dma_semaphore, #tpu.memory_space<semaphore_mem>>) src(%arg7 : memref<128x128xf32, #tpu.memory_space<vmem>>) dst(%dma_wait3A_376 : memref<128x128xf32, #tpu.memory_space<hbm>>)
      tpu.yield
    }) : () -> ()
    %dma_start3A_273 = arith.constant 20 : i32
    %dma_start3A_274 = arith.constant 0 : i32
    %dma_start3A_275 = tpu.memref_slice %arg6[%dma_start3A_273, %dma_start3A_274] : memref<26x128xi32, #tpu.memory_space<vmem>> -> memref<1x128xi32, #tpu.memory_space<vmem>>
    %dma_start3A_276 = tpu.memref_squeeze %dma_start3A_275 : memref<1x128xi32, #tpu.memory_space<vmem>> -> memref<128xi32, #tpu.memory_space<vmem>>
    %dma_start3A_277 = arith.constant 0 : i32
    %dma_start3A_278 = arith.constant 0 : i32
    %dma_start3A_279 = tpu.memref_slice %arg3[%dma_start3A_277, %dma_start3A_278] : memref<1331200x128xf32, #tpu.memory_space<hbm>> -> memref<1331200x128xf32, #tpu.memory_space<hbm>>
    tpu.enqueue_indirect_dma source(%dma_start3A_279 : memref<1331200x128xf32, #tpu.memory_space<hbm>>) target(%arg7 : memref<128x128xf32, #tpu.memory_space<vmem>>) offsets(%dma_start3A_276 : memref<128xi32, #tpu.memory_space<vmem>>) semaphore(%arg9 : memref<!tpu.dma_semaphore, #tpu.memory_space<semaphore_mem>>)
    %dma_wait3A_280 = arith.constant 0 : i32
    %dma_wait3A_281 = arith.constant 0 : i32
    %dma_wait3A_282 = tpu.memref_slice %arg2[%dma_wait3A_280, %dma_wait3A_281] : memref<13000x128xf32, #tpu.memory_space<hbm>> -> memref<128x128xf32, #tpu.memory_space<hbm>>
    %dma_wait3A_283 = arith.constant 0 : i32
    %dma_wait3A_284 = arith.constant 0 : i32
    %dma_wait3A_285 = tpu.memref_slice %arg2[%dma_wait3A_283, %dma_wait3A_284] : memref<13000x128xf32, #tpu.memory_space<hbm>> -> memref<128x128xf32, #tpu.memory_space<hbm>>
    tpu.wait_dma2 semaphore(%arg10 : memref<!tpu.dma_semaphore, #tpu.memory_space<semaphore_mem>>) src(%dma_wait3A_285 : memref<128x128xf32, #tpu.memory_space<hbm>>) dst(%arg8 : memref<128x128xf32, #tpu.memory_space<vmem>>)
    %run_scoped3A_286 = arith.constant 19 : i32
    "tpu.region"() ({
      %run_scoped3A_364 = tpu.sem_alloc : memref<!tpu.dma_semaphore, #tpu.memory_space<semaphore_mem>>
      %dma_start3A_365 = arith.constant 0 : i32
      %dma_start3A_366 = tpu.memref_slice %arg5[%run_scoped3A_286, %mul3A_2, %dma_start3A_365] : memref<26x4096x128xf32, #tpu.memory_space<hbm>> -> memref<1x128x128xf32, #tpu.memory_space<hbm>>
      %dma_start3A_367 = tpu.memref_squeeze %dma_start3A_366 : memref<1x128x128xf32, #tpu.memory_space<hbm>> -> memref<128x128xf32, #tpu.memory_space<hbm>>
      %dma_start3A_368 = arith.constant 0 : i32
      %dma_start3A_369 = tpu.memref_slice %arg5[%run_scoped3A_286, %mul3A_2, %dma_start3A_368] : memref<26x4096x128xf32, #tpu.memory_space<hbm>> -> memref<1x128x128xf32, #tpu.memory_space<hbm>>
      %dma_start3A_370 = tpu.memref_squeeze %dma_start3A_369 : memref<1x128x128xf32, #tpu.memory_space<hbm>> -> memref<128x128xf32, #tpu.memory_space<hbm>>
      tpu.enqueue_dma source(%arg8 : memref<128x128xf32, #tpu.memory_space<vmem>>) target(%dma_start3A_370 : memref<128x128xf32, #tpu.memory_space<hbm>>) target_semaphore(%run_scoped3A_364 : memref<!tpu.dma_semaphore, #tpu.memory_space<semaphore_mem>>)
      %dma_wait3A_371 = arith.constant 0 : i32
      %dma_wait3A_372 = tpu.memref_slice %arg5[%run_scoped3A_286, %mul3A_2, %dma_wait3A_371] : memref<26x4096x128xf32, #tpu.memory_space<hbm>> -> memref<1x128x128xf32, #tpu.memory_space<hbm>>
      %dma_wait3A_373 = tpu.memref_squeeze %dma_wait3A_372 : memref<1x128x128xf32, #tpu.memory_space<hbm>> -> memref<128x128xf32, #tpu.memory_space<hbm>>
      %dma_wait3A_374 = arith.constant 0 : i32
      %dma_wait3A_375 = tpu.memref_slice %arg5[%run_scoped3A_286, %mul3A_2, %dma_wait3A_374] : memref<26x4096x128xf32, #tpu.memory_space<hbm>> -> memref<1x128x128xf32, #tpu.memory_space<hbm>>
      %dma_wait3A_376 = tpu.memref_squeeze %dma_wait3A_375 : memref<1x128x128xf32, #tpu.memory_space<hbm>> -> memref<128x128xf32, #tpu.memory_space<hbm>>
      tpu.wait_dma2 semaphore(%run_scoped3A_364 : memref<!tpu.dma_semaphore, #tpu.memory_space<semaphore_mem>>) src(%arg8 : memref<128x128xf32, #tpu.memory_space<vmem>>) dst(%dma_wait3A_376 : memref<128x128xf32, #tpu.memory_space<hbm>>)
      tpu.yield
    }) : () -> ()
    %dma_start3A_287 = arith.constant 21 : i32
    %dma_start3A_288 = arith.constant 0 : i32
    %dma_start3A_289 = tpu.memref_slice %arg6[%dma_start3A_287, %dma_start3A_288] : memref<26x128xi32, #tpu.memory_space<vmem>> -> memref<1x128xi32, #tpu.memory_space<vmem>>
    %dma_start3A_290 = tpu.memref_squeeze %dma_start3A_289 : memref<1x128xi32, #tpu.memory_space<vmem>> -> memref<128xi32, #tpu.memory_space<vmem>>
    %dma_start3A_291 = arith.constant 0 : i32
    %dma_start3A_292 = arith.constant 0 : i32
    %dma_start3A_293 = tpu.memref_slice %arg3[%dma_start3A_291, %dma_start3A_292] : memref<1331200x128xf32, #tpu.memory_space<hbm>> -> memref<1331200x128xf32, #tpu.memory_space<hbm>>
    tpu.enqueue_indirect_dma source(%dma_start3A_293 : memref<1331200x128xf32, #tpu.memory_space<hbm>>) target(%arg8 : memref<128x128xf32, #tpu.memory_space<vmem>>) offsets(%dma_start3A_290 : memref<128xi32, #tpu.memory_space<vmem>>) semaphore(%arg10 : memref<!tpu.dma_semaphore, #tpu.memory_space<semaphore_mem>>)
    %dma_wait3A_294 = arith.constant 0 : i32
    %dma_wait3A_295 = arith.constant 0 : i32
    %dma_wait3A_296 = tpu.memref_slice %arg2[%dma_wait3A_294, %dma_wait3A_295] : memref<13000x128xf32, #tpu.memory_space<hbm>> -> memref<128x128xf32, #tpu.memory_space<hbm>>
    %dma_wait3A_297 = arith.constant 0 : i32
    %dma_wait3A_298 = arith.constant 0 : i32
    %dma_wait3A_299 = tpu.memref_slice %arg2[%dma_wait3A_297, %dma_wait3A_298] : memref<13000x128xf32, #tpu.memory_space<hbm>> -> memref<128x128xf32, #tpu.memory_space<hbm>>
    tpu.wait_dma2 semaphore(%arg9 : memref<!tpu.dma_semaphore, #tpu.memory_space<semaphore_mem>>) src(%dma_wait3A_299 : memref<128x128xf32, #tpu.memory_space<hbm>>) dst(%arg7 : memref<128x128xf32, #tpu.memory_space<vmem>>)
    %run_scoped3A_300 = arith.constant 20 : i32
    "tpu.region"() ({
      %run_scoped3A_364 = tpu.sem_alloc : memref<!tpu.dma_semaphore, #tpu.memory_space<semaphore_mem>>
      %dma_start3A_365 = arith.constant 0 : i32
      %dma_start3A_366 = tpu.memref_slice %arg5[%run_scoped3A_300, %mul3A_2, %dma_start3A_365] : memref<26x4096x128xf32, #tpu.memory_space<hbm>> -> memref<1x128x128xf32, #tpu.memory_space<hbm>>
      %dma_start3A_367 = tpu.memref_squeeze %dma_start3A_366 : memref<1x128x128xf32, #tpu.memory_space<hbm>> -> memref<128x128xf32, #tpu.memory_space<hbm>>
      %dma_start3A_368 = arith.constant 0 : i32
      %dma_start3A_369 = tpu.memref_slice %arg5[%run_scoped3A_300, %mul3A_2, %dma_start3A_368] : memref<26x4096x128xf32, #tpu.memory_space<hbm>> -> memref<1x128x128xf32, #tpu.memory_space<hbm>>
      %dma_start3A_370 = tpu.memref_squeeze %dma_start3A_369 : memref<1x128x128xf32, #tpu.memory_space<hbm>> -> memref<128x128xf32, #tpu.memory_space<hbm>>
      tpu.enqueue_dma source(%arg7 : memref<128x128xf32, #tpu.memory_space<vmem>>) target(%dma_start3A_370 : memref<128x128xf32, #tpu.memory_space<hbm>>) target_semaphore(%run_scoped3A_364 : memref<!tpu.dma_semaphore, #tpu.memory_space<semaphore_mem>>)
      %dma_wait3A_371 = arith.constant 0 : i32
      %dma_wait3A_372 = tpu.memref_slice %arg5[%run_scoped3A_300, %mul3A_2, %dma_wait3A_371] : memref<26x4096x128xf32, #tpu.memory_space<hbm>> -> memref<1x128x128xf32, #tpu.memory_space<hbm>>
      %dma_wait3A_373 = tpu.memref_squeeze %dma_wait3A_372 : memref<1x128x128xf32, #tpu.memory_space<hbm>> -> memref<128x128xf32, #tpu.memory_space<hbm>>
      %dma_wait3A_374 = arith.constant 0 : i32
      %dma_wait3A_375 = tpu.memref_slice %arg5[%run_scoped3A_300, %mul3A_2, %dma_wait3A_374] : memref<26x4096x128xf32, #tpu.memory_space<hbm>> -> memref<1x128x128xf32, #tpu.memory_space<hbm>>
      %dma_wait3A_376 = tpu.memref_squeeze %dma_wait3A_375 : memref<1x128x128xf32, #tpu.memory_space<hbm>> -> memref<128x128xf32, #tpu.memory_space<hbm>>
      tpu.wait_dma2 semaphore(%run_scoped3A_364 : memref<!tpu.dma_semaphore, #tpu.memory_space<semaphore_mem>>) src(%arg7 : memref<128x128xf32, #tpu.memory_space<vmem>>) dst(%dma_wait3A_376 : memref<128x128xf32, #tpu.memory_space<hbm>>)
      tpu.yield
    }) : () -> ()
    %dma_start3A_301 = arith.constant 22 : i32
    %dma_start3A_302 = arith.constant 0 : i32
    %dma_start3A_303 = tpu.memref_slice %arg6[%dma_start3A_301, %dma_start3A_302] : memref<26x128xi32, #tpu.memory_space<vmem>> -> memref<1x128xi32, #tpu.memory_space<vmem>>
    %dma_start3A_304 = tpu.memref_squeeze %dma_start3A_303 : memref<1x128xi32, #tpu.memory_space<vmem>> -> memref<128xi32, #tpu.memory_space<vmem>>
    %dma_start3A_305 = arith.constant 0 : i32
    %dma_start3A_306 = arith.constant 0 : i32
    %dma_start3A_307 = tpu.memref_slice %arg3[%dma_start3A_305, %dma_start3A_306] : memref<1331200x128xf32, #tpu.memory_space<hbm>> -> memref<1331200x128xf32, #tpu.memory_space<hbm>>
    tpu.enqueue_indirect_dma source(%dma_start3A_307 : memref<1331200x128xf32, #tpu.memory_space<hbm>>) target(%arg7 : memref<128x128xf32, #tpu.memory_space<vmem>>) offsets(%dma_start3A_304 : memref<128xi32, #tpu.memory_space<vmem>>) semaphore(%arg9 : memref<!tpu.dma_semaphore, #tpu.memory_space<semaphore_mem>>)
    %dma_wait3A_308 = arith.constant 0 : i32
    %dma_wait3A_309 = arith.constant 0 : i32
    %dma_wait3A_310 = tpu.memref_slice %arg2[%dma_wait3A_308, %dma_wait3A_309] : memref<13000x128xf32, #tpu.memory_space<hbm>> -> memref<128x128xf32, #tpu.memory_space<hbm>>
    %dma_wait3A_311 = arith.constant 0 : i32
    %dma_wait3A_312 = arith.constant 0 : i32
    %dma_wait3A_313 = tpu.memref_slice %arg2[%dma_wait3A_311, %dma_wait3A_312] : memref<13000x128xf32, #tpu.memory_space<hbm>> -> memref<128x128xf32, #tpu.memory_space<hbm>>
    tpu.wait_dma2 semaphore(%arg10 : memref<!tpu.dma_semaphore, #tpu.memory_space<semaphore_mem>>) src(%dma_wait3A_313 : memref<128x128xf32, #tpu.memory_space<hbm>>) dst(%arg8 : memref<128x128xf32, #tpu.memory_space<vmem>>)
    %run_scoped3A_314 = arith.constant 21 : i32
    "tpu.region"() ({
      %run_scoped3A_364 = tpu.sem_alloc : memref<!tpu.dma_semaphore, #tpu.memory_space<semaphore_mem>>
      %dma_start3A_365 = arith.constant 0 : i32
      %dma_start3A_366 = tpu.memref_slice %arg5[%run_scoped3A_314, %mul3A_2, %dma_start3A_365] : memref<26x4096x128xf32, #tpu.memory_space<hbm>> -> memref<1x128x128xf32, #tpu.memory_space<hbm>>
      %dma_start3A_367 = tpu.memref_squeeze %dma_start3A_366 : memref<1x128x128xf32, #tpu.memory_space<hbm>> -> memref<128x128xf32, #tpu.memory_space<hbm>>
      %dma_start3A_368 = arith.constant 0 : i32
      %dma_start3A_369 = tpu.memref_slice %arg5[%run_scoped3A_314, %mul3A_2, %dma_start3A_368] : memref<26x4096x128xf32, #tpu.memory_space<hbm>> -> memref<1x128x128xf32, #tpu.memory_space<hbm>>
      %dma_start3A_370 = tpu.memref_squeeze %dma_start3A_369 : memref<1x128x128xf32, #tpu.memory_space<hbm>> -> memref<128x128xf32, #tpu.memory_space<hbm>>
      tpu.enqueue_dma source(%arg8 : memref<128x128xf32, #tpu.memory_space<vmem>>) target(%dma_start3A_370 : memref<128x128xf32, #tpu.memory_space<hbm>>) target_semaphore(%run_scoped3A_364 : memref<!tpu.dma_semaphore, #tpu.memory_space<semaphore_mem>>)
      %dma_wait3A_371 = arith.constant 0 : i32
      %dma_wait3A_372 = tpu.memref_slice %arg5[%run_scoped3A_314, %mul3A_2, %dma_wait3A_371] : memref<26x4096x128xf32, #tpu.memory_space<hbm>> -> memref<1x128x128xf32, #tpu.memory_space<hbm>>
      %dma_wait3A_373 = tpu.memref_squeeze %dma_wait3A_372 : memref<1x128x128xf32, #tpu.memory_space<hbm>> -> memref<128x128xf32, #tpu.memory_space<hbm>>
      %dma_wait3A_374 = arith.constant 0 : i32
      %dma_wait3A_375 = tpu.memref_slice %arg5[%run_scoped3A_314, %mul3A_2, %dma_wait3A_374] : memref<26x4096x128xf32, #tpu.memory_space<hbm>> -> memref<1x128x128xf32, #tpu.memory_space<hbm>>
      %dma_wait3A_376 = tpu.memref_squeeze %dma_wait3A_375 : memref<1x128x128xf32, #tpu.memory_space<hbm>> -> memref<128x128xf32, #tpu.memory_space<hbm>>
      tpu.wait_dma2 semaphore(%run_scoped3A_364 : memref<!tpu.dma_semaphore, #tpu.memory_space<semaphore_mem>>) src(%arg8 : memref<128x128xf32, #tpu.memory_space<vmem>>) dst(%dma_wait3A_376 : memref<128x128xf32, #tpu.memory_space<hbm>>)
      tpu.yield
    }) : () -> ()
    %dma_start3A_315 = arith.constant 23 : i32
    %dma_start3A_316 = arith.constant 0 : i32
    %dma_start3A_317 = tpu.memref_slice %arg6[%dma_start3A_315, %dma_start3A_316] : memref<26x128xi32, #tpu.memory_space<vmem>> -> memref<1x128xi32, #tpu.memory_space<vmem>>
    %dma_start3A_318 = tpu.memref_squeeze %dma_start3A_317 : memref<1x128xi32, #tpu.memory_space<vmem>> -> memref<128xi32, #tpu.memory_space<vmem>>
    %dma_start3A_319 = arith.constant 0 : i32
    %dma_start3A_320 = arith.constant 0 : i32
    %dma_start3A_321 = tpu.memref_slice %arg3[%dma_start3A_319, %dma_start3A_320] : memref<1331200x128xf32, #tpu.memory_space<hbm>> -> memref<1331200x128xf32, #tpu.memory_space<hbm>>
    tpu.enqueue_indirect_dma source(%dma_start3A_321 : memref<1331200x128xf32, #tpu.memory_space<hbm>>) target(%arg8 : memref<128x128xf32, #tpu.memory_space<vmem>>) offsets(%dma_start3A_318 : memref<128xi32, #tpu.memory_space<vmem>>) semaphore(%arg10 : memref<!tpu.dma_semaphore, #tpu.memory_space<semaphore_mem>>)
    %dma_wait3A_322 = arith.constant 0 : i32
    %dma_wait3A_323 = arith.constant 0 : i32
    %dma_wait3A_324 = tpu.memref_slice %arg2[%dma_wait3A_322, %dma_wait3A_323] : memref<13000x128xf32, #tpu.memory_space<hbm>> -> memref<128x128xf32, #tpu.memory_space<hbm>>
    %dma_wait3A_325 = arith.constant 0 : i32
    %dma_wait3A_326 = arith.constant 0 : i32
    %dma_wait3A_327 = tpu.memref_slice %arg2[%dma_wait3A_325, %dma_wait3A_326] : memref<13000x128xf32, #tpu.memory_space<hbm>> -> memref<128x128xf32, #tpu.memory_space<hbm>>
    tpu.wait_dma2 semaphore(%arg9 : memref<!tpu.dma_semaphore, #tpu.memory_space<semaphore_mem>>) src(%dma_wait3A_327 : memref<128x128xf32, #tpu.memory_space<hbm>>) dst(%arg7 : memref<128x128xf32, #tpu.memory_space<vmem>>)
    %run_scoped3A_328 = arith.constant 22 : i32
    "tpu.region"() ({
      %run_scoped3A_364 = tpu.sem_alloc : memref<!tpu.dma_semaphore, #tpu.memory_space<semaphore_mem>>
      %dma_start3A_365 = arith.constant 0 : i32
      %dma_start3A_366 = tpu.memref_slice %arg5[%run_scoped3A_328, %mul3A_2, %dma_start3A_365] : memref<26x4096x128xf32, #tpu.memory_space<hbm>> -> memref<1x128x128xf32, #tpu.memory_space<hbm>>
      %dma_start3A_367 = tpu.memref_squeeze %dma_start3A_366 : memref<1x128x128xf32, #tpu.memory_space<hbm>> -> memref<128x128xf32, #tpu.memory_space<hbm>>
      %dma_start3A_368 = arith.constant 0 : i32
      %dma_start3A_369 = tpu.memref_slice %arg5[%run_scoped3A_328, %mul3A_2, %dma_start3A_368] : memref<26x4096x128xf32, #tpu.memory_space<hbm>> -> memref<1x128x128xf32, #tpu.memory_space<hbm>>
      %dma_start3A_370 = tpu.memref_squeeze %dma_start3A_369 : memref<1x128x128xf32, #tpu.memory_space<hbm>> -> memref<128x128xf32, #tpu.memory_space<hbm>>
      tpu.enqueue_dma source(%arg7 : memref<128x128xf32, #tpu.memory_space<vmem>>) target(%dma_start3A_370 : memref<128x128xf32, #tpu.memory_space<hbm>>) target_semaphore(%run_scoped3A_364 : memref<!tpu.dma_semaphore, #tpu.memory_space<semaphore_mem>>)
      %dma_wait3A_371 = arith.constant 0 : i32
      %dma_wait3A_372 = tpu.memref_slice %arg5[%run_scoped3A_328, %mul3A_2, %dma_wait3A_371] : memref<26x4096x128xf32, #tpu.memory_space<hbm>> -> memref<1x128x128xf32, #tpu.memory_space<hbm>>
      %dma_wait3A_373 = tpu.memref_squeeze %dma_wait3A_372 : memref<1x128x128xf32, #tpu.memory_space<hbm>> -> memref<128x128xf32, #tpu.memory_space<hbm>>
      %dma_wait3A_374 = arith.constant 0 : i32
      %dma_wait3A_375 = tpu.memref_slice %arg5[%run_scoped3A_328, %mul3A_2, %dma_wait3A_374] : memref<26x4096x128xf32, #tpu.memory_space<hbm>> -> memref<1x128x128xf32, #tpu.memory_space<hbm>>
      %dma_wait3A_376 = tpu.memref_squeeze %dma_wait3A_375 : memref<1x128x128xf32, #tpu.memory_space<hbm>> -> memref<128x128xf32, #tpu.memory_space<hbm>>
      tpu.wait_dma2 semaphore(%run_scoped3A_364 : memref<!tpu.dma_semaphore, #tpu.memory_space<semaphore_mem>>) src(%arg7 : memref<128x128xf32, #tpu.memory_space<vmem>>) dst(%dma_wait3A_376 : memref<128x128xf32, #tpu.memory_space<hbm>>)
      tpu.yield
    }) : () -> ()
    %dma_start3A_329 = arith.constant 24 : i32
    %dma_start3A_330 = arith.constant 0 : i32
    %dma_start3A_331 = tpu.memref_slice %arg6[%dma_start3A_329, %dma_start3A_330] : memref<26x128xi32, #tpu.memory_space<vmem>> -> memref<1x128xi32, #tpu.memory_space<vmem>>
    %dma_start3A_332 = tpu.memref_squeeze %dma_start3A_331 : memref<1x128xi32, #tpu.memory_space<vmem>> -> memref<128xi32, #tpu.memory_space<vmem>>
    %dma_start3A_333 = arith.constant 0 : i32
    %dma_start3A_334 = arith.constant 0 : i32
    %dma_start3A_335 = tpu.memref_slice %arg3[%dma_start3A_333, %dma_start3A_334] : memref<1331200x128xf32, #tpu.memory_space<hbm>> -> memref<1331200x128xf32, #tpu.memory_space<hbm>>
    tpu.enqueue_indirect_dma source(%dma_start3A_335 : memref<1331200x128xf32, #tpu.memory_space<hbm>>) target(%arg7 : memref<128x128xf32, #tpu.memory_space<vmem>>) offsets(%dma_start3A_332 : memref<128xi32, #tpu.memory_space<vmem>>) semaphore(%arg9 : memref<!tpu.dma_semaphore, #tpu.memory_space<semaphore_mem>>)
    %dma_wait3A_336 = arith.constant 0 : i32
    %dma_wait3A_337 = arith.constant 0 : i32
    %dma_wait3A_338 = tpu.memref_slice %arg2[%dma_wait3A_336, %dma_wait3A_337] : memref<13000x128xf32, #tpu.memory_space<hbm>> -> memref<128x128xf32, #tpu.memory_space<hbm>>
    %dma_wait3A_339 = arith.constant 0 : i32
    %dma_wait3A_340 = arith.constant 0 : i32
    %dma_wait3A_341 = tpu.memref_slice %arg2[%dma_wait3A_339, %dma_wait3A_340] : memref<13000x128xf32, #tpu.memory_space<hbm>> -> memref<128x128xf32, #tpu.memory_space<hbm>>
    tpu.wait_dma2 semaphore(%arg10 : memref<!tpu.dma_semaphore, #tpu.memory_space<semaphore_mem>>) src(%dma_wait3A_341 : memref<128x128xf32, #tpu.memory_space<hbm>>) dst(%arg8 : memref<128x128xf32, #tpu.memory_space<vmem>>)
    %run_scoped3A_342 = arith.constant 23 : i32
    "tpu.region"() ({
      %run_scoped3A_364 = tpu.sem_alloc : memref<!tpu.dma_semaphore, #tpu.memory_space<semaphore_mem>>
      %dma_start3A_365 = arith.constant 0 : i32
      %dma_start3A_366 = tpu.memref_slice %arg5[%run_scoped3A_342, %mul3A_2, %dma_start3A_365] : memref<26x4096x128xf32, #tpu.memory_space<hbm>> -> memref<1x128x128xf32, #tpu.memory_space<hbm>>
      %dma_start3A_367 = tpu.memref_squeeze %dma_start3A_366 : memref<1x128x128xf32, #tpu.memory_space<hbm>> -> memref<128x128xf32, #tpu.memory_space<hbm>>
      %dma_start3A_368 = arith.constant 0 : i32
      %dma_start3A_369 = tpu.memref_slice %arg5[%run_scoped3A_342, %mul3A_2, %dma_start3A_368] : memref<26x4096x128xf32, #tpu.memory_space<hbm>> -> memref<1x128x128xf32, #tpu.memory_space<hbm>>
      %dma_start3A_370 = tpu.memref_squeeze %dma_start3A_369 : memref<1x128x128xf32, #tpu.memory_space<hbm>> -> memref<128x128xf32, #tpu.memory_space<hbm>>
      tpu.enqueue_dma source(%arg8 : memref<128x128xf32, #tpu.memory_space<vmem>>) target(%dma_start3A_370 : memref<128x128xf32, #tpu.memory_space<hbm>>) target_semaphore(%run_scoped3A_364 : memref<!tpu.dma_semaphore, #tpu.memory_space<semaphore_mem>>)
      %dma_wait3A_371 = arith.constant 0 : i32
      %dma_wait3A_372 = tpu.memref_slice %arg5[%run_scoped3A_342, %mul3A_2, %dma_wait3A_371] : memref<26x4096x128xf32, #tpu.memory_space<hbm>> -> memref<1x128x128xf32, #tpu.memory_space<hbm>>
      %dma_wait3A_373 = tpu.memref_squeeze %dma_wait3A_372 : memref<1x128x128xf32, #tpu.memory_space<hbm>> -> memref<128x128xf32, #tpu.memory_space<hbm>>
      %dma_wait3A_374 = arith.constant 0 : i32
      %dma_wait3A_375 = tpu.memref_slice %arg5[%run_scoped3A_342, %mul3A_2, %dma_wait3A_374] : memref<26x4096x128xf32, #tpu.memory_space<hbm>> -> memref<1x128x128xf32, #tpu.memory_space<hbm>>
      %dma_wait3A_376 = tpu.memref_squeeze %dma_wait3A_375 : memref<1x128x128xf32, #tpu.memory_space<hbm>> -> memref<128x128xf32, #tpu.memory_space<hbm>>
      tpu.wait_dma2 semaphore(%run_scoped3A_364 : memref<!tpu.dma_semaphore, #tpu.memory_space<semaphore_mem>>) src(%arg8 : memref<128x128xf32, #tpu.memory_space<vmem>>) dst(%dma_wait3A_376 : memref<128x128xf32, #tpu.memory_space<hbm>>)
      tpu.yield
    }) : () -> ()
    %dma_start3A_343 = arith.constant 25 : i32
    %dma_start3A_344 = arith.constant 0 : i32
    %dma_start3A_345 = tpu.memref_slice %arg6[%dma_start3A_343, %dma_start3A_344] : memref<26x128xi32, #tpu.memory_space<vmem>> -> memref<1x128xi32, #tpu.memory_space<vmem>>
    %dma_start3A_346 = tpu.memref_squeeze %dma_start3A_345 : memref<1x128xi32, #tpu.memory_space<vmem>> -> memref<128xi32, #tpu.memory_space<vmem>>
    %dma_start3A_347 = arith.constant 0 : i32
    %dma_start3A_348 = arith.constant 0 : i32
    %dma_start3A_349 = tpu.memref_slice %arg3[%dma_start3A_347, %dma_start3A_348] : memref<1331200x128xf32, #tpu.memory_space<hbm>> -> memref<1331200x128xf32, #tpu.memory_space<hbm>>
    tpu.enqueue_indirect_dma source(%dma_start3A_349 : memref<1331200x128xf32, #tpu.memory_space<hbm>>) target(%arg8 : memref<128x128xf32, #tpu.memory_space<vmem>>) offsets(%dma_start3A_346 : memref<128xi32, #tpu.memory_space<vmem>>) semaphore(%arg10 : memref<!tpu.dma_semaphore, #tpu.memory_space<semaphore_mem>>)
    %dma_wait3A_350 = arith.constant 0 : i32
    %dma_wait3A_351 = arith.constant 0 : i32
    %dma_wait3A_352 = tpu.memref_slice %arg2[%dma_wait3A_350, %dma_wait3A_351] : memref<13000x128xf32, #tpu.memory_space<hbm>> -> memref<128x128xf32, #tpu.memory_space<hbm>>
    %dma_wait3A_353 = arith.constant 0 : i32
    %dma_wait3A_354 = arith.constant 0 : i32
    %dma_wait3A_355 = tpu.memref_slice %arg2[%dma_wait3A_353, %dma_wait3A_354] : memref<13000x128xf32, #tpu.memory_space<hbm>> -> memref<128x128xf32, #tpu.memory_space<hbm>>
    tpu.wait_dma2 semaphore(%arg9 : memref<!tpu.dma_semaphore, #tpu.memory_space<semaphore_mem>>) src(%dma_wait3A_355 : memref<128x128xf32, #tpu.memory_space<hbm>>) dst(%arg7 : memref<128x128xf32, #tpu.memory_space<vmem>>)
    %run_scoped3A_356 = arith.constant 24 : i32
    "tpu.region"() ({
      %run_scoped3A_364 = tpu.sem_alloc : memref<!tpu.dma_semaphore, #tpu.memory_space<semaphore_mem>>
      %dma_start3A_365 = arith.constant 0 : i32
      %dma_start3A_366 = tpu.memref_slice %arg5[%run_scoped3A_356, %mul3A_2, %dma_start3A_365] : memref<26x4096x128xf32, #tpu.memory_space<hbm>> -> memref<1x128x128xf32, #tpu.memory_space<hbm>>
      %dma_start3A_367 = tpu.memref_squeeze %dma_start3A_366 : memref<1x128x128xf32, #tpu.memory_space<hbm>> -> memref<128x128xf32, #tpu.memory_space<hbm>>
      %dma_start3A_368 = arith.constant 0 : i32
      %dma_start3A_369 = tpu.memref_slice %arg5[%run_scoped3A_356, %mul3A_2, %dma_start3A_368] : memref<26x4096x128xf32, #tpu.memory_space<hbm>> -> memref<1x128x128xf32, #tpu.memory_space<hbm>>
      %dma_start3A_370 = tpu.memref_squeeze %dma_start3A_369 : memref<1x128x128xf32, #tpu.memory_space<hbm>> -> memref<128x128xf32, #tpu.memory_space<hbm>>
      tpu.enqueue_dma source(%arg7 : memref<128x128xf32, #tpu.memory_space<vmem>>) target(%dma_start3A_370 : memref<128x128xf32, #tpu.memory_space<hbm>>) target_semaphore(%run_scoped3A_364 : memref<!tpu.dma_semaphore, #tpu.memory_space<semaphore_mem>>)
      %dma_wait3A_371 = arith.constant 0 : i32
      %dma_wait3A_372 = tpu.memref_slice %arg5[%run_scoped3A_356, %mul3A_2, %dma_wait3A_371] : memref<26x4096x128xf32, #tpu.memory_space<hbm>> -> memref<1x128x128xf32, #tpu.memory_space<hbm>>
      %dma_wait3A_373 = tpu.memref_squeeze %dma_wait3A_372 : memref<1x128x128xf32, #tpu.memory_space<hbm>> -> memref<128x128xf32, #tpu.memory_space<hbm>>
      %dma_wait3A_374 = arith.constant 0 : i32
      %dma_wait3A_375 = tpu.memref_slice %arg5[%run_scoped3A_356, %mul3A_2, %dma_wait3A_374] : memref<26x4096x128xf32, #tpu.memory_space<hbm>> -> memref<1x128x128xf32, #tpu.memory_space<hbm>>
      %dma_wait3A_376 = tpu.memref_squeeze %dma_wait3A_375 : memref<1x128x128xf32, #tpu.memory_space<hbm>> -> memref<128x128xf32, #tpu.memory_space<hbm>>
      tpu.wait_dma2 semaphore(%run_scoped3A_364 : memref<!tpu.dma_semaphore, #tpu.memory_space<semaphore_mem>>) src(%arg7 : memref<128x128xf32, #tpu.memory_space<vmem>>) dst(%dma_wait3A_376 : memref<128x128xf32, #tpu.memory_space<hbm>>)
      tpu.yield
    }) : () -> ()
    %dma_wait3A_357 = arith.constant 0 : i32
    %dma_wait3A_358 = arith.constant 0 : i32
    %dma_wait3A_359 = tpu.memref_slice %arg2[%dma_wait3A_357, %dma_wait3A_358] : memref<13000x128xf32, #tpu.memory_space<hbm>> -> memref<128x128xf32, #tpu.memory_space<hbm>>
    %dma_wait3A_360 = arith.constant 0 : i32
    %dma_wait3A_361 = arith.constant 0 : i32
    %dma_wait3A_362 = tpu.memref_slice %arg2[%dma_wait3A_360, %dma_wait3A_361] : memref<13000x128xf32, #tpu.memory_space<hbm>> -> memref<128x128xf32, #tpu.memory_space<hbm>>
    tpu.wait_dma2 semaphore(%arg10 : memref<!tpu.dma_semaphore, #tpu.memory_space<semaphore_mem>>) src(%dma_wait3A_362 : memref<128x128xf32, #tpu.memory_space<hbm>>) dst(%arg8 : memref<128x128xf32, #tpu.memory_space<vmem>>)
    %run_scoped3A_363 = arith.constant 25 : i32
    "tpu.region"() ({
      %run_scoped3A_364 = tpu.sem_alloc : memref<!tpu.dma_semaphore, #tpu.memory_space<semaphore_mem>>
      %dma_start3A_365 = arith.constant 0 : i32
      %dma_start3A_366 = tpu.memref_slice %arg5[%run_scoped3A_363, %mul3A_2, %dma_start3A_365] : memref<26x4096x128xf32, #tpu.memory_space<hbm>> -> memref<1x128x128xf32, #tpu.memory_space<hbm>>
      %dma_start3A_367 = tpu.memref_squeeze %dma_start3A_366 : memref<1x128x128xf32, #tpu.memory_space<hbm>> -> memref<128x128xf32, #tpu.memory_space<hbm>>
      %dma_start3A_368 = arith.constant 0 : i32
      %dma_start3A_369 = tpu.memref_slice %arg5[%run_scoped3A_363, %mul3A_2, %dma_start3A_368] : memref<26x4096x128xf32, #tpu.memory_space<hbm>> -> memref<1x128x128xf32, #tpu.memory_space<hbm>>
      %dma_start3A_370 = tpu.memref_squeeze %dma_start3A_369 : memref<1x128x128xf32, #tpu.memory_space<hbm>> -> memref<128x128xf32, #tpu.memory_space<hbm>>
      tpu.enqueue_dma source(%arg8 : memref<128x128xf32, #tpu.memory_space<vmem>>) target(%dma_start3A_370 : memref<128x128xf32, #tpu.memory_space<hbm>>) target_semaphore(%run_scoped3A_364 : memref<!tpu.dma_semaphore, #tpu.memory_space<semaphore_mem>>)
      %dma_wait3A_371 = arith.constant 0 : i32
      %dma_wait3A_372 = tpu.memref_slice %arg5[%run_scoped3A_363, %mul3A_2, %dma_wait3A_371] : memref<26x4096x128xf32, #tpu.memory_space<hbm>> -> memref<1x128x128xf32, #tpu.memory_space<hbm>>
      %dma_wait3A_373 = tpu.memref_squeeze %dma_wait3A_372 : memref<1x128x128xf32, #tpu.memory_space<hbm>> -> memref<128x128xf32, #tpu.memory_space<hbm>>
      %dma_wait3A_374 = arith.constant 0 : i32
      %dma_wait3A_375 = tpu.memref_slice %arg5[%run_scoped3A_363, %mul3A_2, %dma_wait3A_374] : memref<26x4096x128xf32, #tpu.memory_space<hbm>> -> memref<1x128x128xf32, #tpu.memory_space<hbm>>
      %dma_wait3A_376 = tpu.memref_squeeze %dma_wait3A_375 : memref<1x128x128xf32, #tpu.memory_space<hbm>> -> memref<128x128xf32, #tpu.memory_space<hbm>>
      tpu.wait_dma2 semaphore(%run_scoped3A_364 : memref<!tpu.dma_semaphore, #tpu.memory_space<semaphore_mem>>) src(%arg8 : memref<128x128xf32, #tpu.memory_space<vmem>>) dst(%dma_wait3A_376 : memref<128x128xf32, #tpu.memory_space<hbm>>)
      tpu.yield
    }) : () -> ()
    return
  }
}

</mosaic_0001>

<sc_bundles>
// kernel: _sc_gather.3.cloned.1.call-start
scs
__scs_entry_jumppad:
0x0: {  	(pc) =	sbr.rel $0x88, $3  }
0x1: {  	(tag) =	ssettag $0x0;
	lr =	simm.s32 $0x1  }
0x2: {  	[smem:$0x3F9E] =	sst lr;
	_ =	strace $0xD0000000  }
0x3: {  	_ = 	snop  }
0x4: {  	_ = 	snop  }
0x5: {  	_ = 	snop  }
0x6: {  	_ = 	snop  }
0x7: {  	_ = 	snop  }
__scs_overlays_trampoline_lowered:
0x8: {  	[smem:$0x3FAD] =	sst s0  }
0x9: {  	[smem:$0x3FAE] =	sst s1  }
0xa: {  	[smem:$0x3FAF] =	sst s2  }
0xb: {  	[smem:$0x3FB0] =	sst s3  }
0xc: {  	[smem:$0x3FB1] =	sst s4  }
0xd: {  	[smem:$0x3FB2] =	sst s5  }
0xe: {  	[smem:$0x3FB3] =	sst s6  }
0xf: {  	[smem:$0x3FB4] =	sst s7  }
0x10: {  	[smem:$0x3FB5] =	sst s8  }
0x11: {  	[smem:$0x3FB6] =	sst s9;
	s0 =	simm.s32 @!p0 $0x0  }
0x12: {  	s1 =	sld [smem:$0x3F9C];
	s0 =	simm.s32 @p0 $0x1  }
0x13: {  	[smem:$0x3FB7] =	sst s0;
	s0 =	simm.s32 @!p1 $0x0  }
0x14: {  	s2 =	sld [smem:$0x3F9B];
	s0 =	simm.s32 @p1 $0x1  }
0x15: {  	[smem:$0x3FB8] =	sst s0;
	s0 =	simm.s32 @!p2 $0x0  }
0x16: {  	s3 =	sld [smem:$0x3FDB];
	s0 =	simm.s32 @p2 $0x1  }
0x17: {  	s4 =	simm.s32 $0x1BF5;
	[smem:$0x3FBA] =	sst s0  }
0x18: {  	s0 =	sld [smem:$0x3F9D];
	_ =	swait.ge [sflag:s4], $0x0  }
0x19: {  	s7 =	sld [smem:$0x3F9E]  }
0x1a: {  	s8 =	sadd.s32 $0xFFFFE003, lr  }
0x1b: {  	s9 =	sadd.s32 $0xFFFFFEF7, lr;
	s5 =	simm.s32 $0xFFFFFFFF;
	p2 =	slt.u32 s8, $0xFFFFF086  }
0x1c: {  	p1 =	slt.u32 s9, $0xF7A;
	s5 =	simm.s32 @!p2 $0x0  }
0x1d: {  	s5 =	simm.s32 @p1 $0x1;
	p0 =	seq.s32 s7, s2  }
0x1e: {  	s7 =	smul.u32 @!p0 $0xF7A, s2;
	p2 =	seq.s32 @!p0 s5, $0x0  }
0x1f: {  	s9 =	smul.u32 $0xF7A, s1;
	s8 =	simm.s32 @!p0 $0x1BF5;
	p2 =	por !p2, p0  }
0x20: {  	[sflag:s8] =	ssyncset.s32 @!p0 $0xFFFFF086;
	s6 =	sadd.s32 @!p0 s3, s7;
	s7 =	simm.s32 @!p0 $0x108  }
0x21: {  	s3 =	sadd.s32 s3, s9;
	s6 =	sadd.s32 @!p0 $0x88, s6;
	s7 =	simm.s32 @p2 $0x1082  }
0x22: {  	[simem:s7], [sflag:s8] =	dma.local @!p0 [hbm:s6], $0xF7A  }
0x23: {  	s9 =	sor.u32 $0xD0000000, s2;
	s6 =	simm.s32 $0x108;
	_ =	swait.ge @!p0 [sflag:s8], $0x0  }
0x24: {  	s3 =	sadd.s32 $0x88, s3;
	s6 =	simm.s32 @!p1 $0x1082;
	[sflag:s4] =	ssyncset.s32 $0xFFFFF086  }
0x25: {  	[simem:s6], [sflag:s4] =	dma.local [hbm:s3], $0xF7A  }
0x26: {  	[smem:$0x3F9E] =	sst s1;
	(tag) =	ssettag s2;
	_ =	strace s9  }
0x27: {  	s1 =	sld [smem:$0x3FAE]  }
0x28: {  	s2 =	sld [smem:$0x3FAF]  }
0x29: {  	s4 =	sld [smem:$0x3FB1]  }
0x2a: {  	p0 =	seq.s32 s5, $0x0;
	s5 =	sld [smem:$0x3FB2]  }
0x2b: {  	s6 =	sld [smem:$0x3FB3]  }
0x2c: {  	s7 =	sld [smem:$0x3FB4]  }
0x2d: {  	s3 =	simm.s32 $0x108;
	s8 =	sld [smem:$0x3FB5]  }
0x2e: {  	s3 =	simm.s32 @!p0 $0x1082;
	s9 =	sld [smem:$0x3FB6]  }
0x2f: {  	lr =	sadd.s32 s0, s3;
	s0 =	sld [smem:$0x3FAD]  }
0x30: {  	s3 =	sld [smem:$0x3FB0]  }
0x31: {  	[smem:$0x3FB9] =	sst s10  }
0x32: {  	s10 =	sld [smem:$0x3FB7];
	_ =	sdelay $0x3  }
0x33: {  	p0 =	seq.s32 s10, $0x1;
	s10 =	sld [smem:$0x3FB9];
	_ =	sdelay $0x3  }
0x34: {  	[smem:$0x3FB9] =	sst s10  }
0x35: {  	s10 =	sld [smem:$0x3FB8];
	_ =	sdelay $0x3  }
0x36: {  	p1 =	seq.s32 s10, $0x1;
	s10 =	sld [smem:$0x3FB9];
	_ =	sdelay $0x3  }
0x37: {  	[smem:$0x3FB9] =	sst s10  }
0x38: {  	s10 =	sld [smem:$0x3FBA]  }
0x39: {  	_ = 	snop;
	(pc) =	sbr.ind lr, $3  }
0x3a: {  	_ = 	snop  }
0x3b: {  	_ = 	snop  }
0x3c: {  	p2 =	seq.s32 s10, $0x1;
	s10 =	sld [smem:$0x3FB9]  }
0x3d: {  	_ =	shalt  }
0x3e: {  	_ =	shalt  }
0x3f: {  	_ =	shalt  }
0x40: {  	_ =	shalt  }
0x41: {  	_ =	shalt  }
0x42: {  	_ =	shalt  }
0x43: {  	_ =	shalt  }
0x44: {  	_ =	shalt  }
0x45: {  	_ =	shalt  }
0x46: {  	_ =	shalt  }
0x47: {  	_ =	shalt  }
0x48: {  	_ =	shalt  }
0x49: {  	_ =	shalt  }
0x4a: {  	_ =	shalt  }
0x4b: {  	_ =	shalt  }
0x4c: {  	_ =	shalt  }
0x4d: {  	_ =	shalt  }
0x4e: {  	_ =	shalt  }
0x4f: {  	_ =	shalt  }
0x50: {  	_ =	shalt  }
0x51: {  	_ =	shalt  }
0x52: {  	_ =	shalt  }
0x53: {  	_ =	shalt  }
0x54: {  	_ =	shalt  }
0x55: {  	_ =	shalt  }
0x56: {  	_ =	shalt  }
0x57: {  	_ =	shalt  }
0x58: {  	_ =	shalt  }
0x59: {  	_ =	shalt  }
0x5a: {  	_ =	shalt  }
0x5b: {  	_ =	shalt  }
0x5c: {  	_ =	shalt  }
0x5d: {  	_ =	shalt  }
0x5e: {  	_ =	shalt  }
0x5f: {  	_ =	shalt  }
0x60: {  	_ =	shalt  }
0x61: {  	_ =	shalt  }
0x62: {  	_ =	shalt  }
0x63: {  	_ =	shalt  }
0x64: {  	_ =	shalt  }
0x65: {  	_ =	shalt  }
0x66: {  	_ =	shalt  }
0x67: {  	_ =	shalt  }
0x68: {  	_ =	shalt  }
0x69: {  	_ =	shalt  }
0x6a: {  	_ =	shalt  }
0x6b: {  	_ =	shalt  }
0x6c: {  	_ =	shalt  }
0x6d: {  	_ =	shalt  }
0x6e: {  	_ =	shalt  }
0x6f: {  	_ =	shalt  }
0x70: {  	_ =	shalt  }
0x71: {  	_ =	shalt  }
0x72: {  	_ =	shalt  }
0x73: {  	_ =	shalt  }
0x74: {  	_ =	shalt  }
0x75: {  	_ =	shalt  }
0x76: {  	_ =	shalt  }
0x77: {  	_ =	shalt  }
0x78: {  	_ =	shalt  }
0x79: {  	_ =	shalt  }
0x7a: {  	_ =	shalt  }
0x7b: {  	_ =	shalt  }
0x7c: {  	_ =	shalt  }
0x7d: {  	_ =	shalt  }
0x7e: {  	_ =	shalt  }
0x7f: {  	_ =	shalt  }
0x80: {  	_ =	shalt  }
0x81: {  	_ =	shalt  }
0x82: {  	_ =	shalt  }
0x83: {  	_ =	shalt  }
0x84: {  	_ =	shalt  }
0x85: {  	_ =	shalt  }
0x86: {  	_ =	shalt  }
0x87: {  	_ =	shalt  }
.Lfunc_end0:
.L_simem_size_0:
called_computation_lowered:
.L_overlay_start_0:
0x88: {  	s2 =	sld [smem:$0x3FD9]  }
0x89: {  	s3 =	sld [smem:$0x3FFE];
	_ =	sdelay $0x1  }
0x8a: {  	s1 =	srdreg.scid  }
0x8b: {  	s0 =	sand.u32 $0x1, s1  }
0x8c: {  	s18 =	sshll.u32 s0, $0xA;
	s2 =	sadd.s32 s3, s2  }
0x8d: {  	s2 =	sadd.s32 s2, s18  }
0x8e: {  	[smem:$0x3FC5] =	sst s2  }
0x8f: {  	_ = 	snop  }
0x90: {  	s2 =	sld [smem:$0x3FC9]  }
0x91: {  	s19 =	sld [smem:$0x3FC8]  }
0x92: {  	s4 =	sld [smem:$0x3FC7]  }
0x93: {  	s5 =	sld [smem:$0x3FD0];
	(tm) =	ssettm $0x1  }
0x94: {  	s6 =	sld [smem:$0x3FFB];
	_ =	sdelay $0x3  }
0x95: {  	_ =	strace s6  }
0x96: {  	s6 =	sld [smem:$0x3FFC];
	_ =	sdelay $0x3  }
0x97: {  	_ =	strace s6  }
0x98: {  	s6 =	sld [smem:$0x3FFD];
	_ =	sdelay $0x3  }
0x99: {  	_ =	strace s6  }
0x9a: {  	_ =	strace $0x8FFFFFFF  }
0x9b: {  	s20 =	sld [smem:$0x3FDB];
	_ =	sdelay $0x1  }
0x9c: {  	s7 =	simm.s32 $_scs_section_size  }
0x9d: {  	s8 =	simm.s32 $_size__tile_overlayer_lowered;
	s9 =	simm.s32 $_tile_overlayer_lowered  }
0x9e: {  	s23 =	simm.s32 $0x1BFF;
	s22 =	sshll.u32 s9, $0x1;
	s6 =	sadd.s32 s7, s20  }
0x9f: {  	s10 =	simm.s32 $0x0;
	s21 =	sshll.u32 s8, $0x1;
	s8 =	sadd.s32 s22, s6  }
0xa0: {  	[timem:s10], [sflag:s23] =	dma.local [hbm:s8], s21  }
0xa1: {  	_ =	swait.ge [sflag:s23], s21  }
0xa2: {  	s7 =	ssub.s32 $0x0, s21;
	[sflag:s23] =	ssyncset.done $0x0  }
0xa3: {  	[sflag:s23] =	ssyncadd.s32 s7;
	_ =	sdelay $0x1  }
0xa4: {  	s24 =	simm.s32 $0x1B8B  }
0xa5: {  	_ =	swait.ge [sflag:s24], $0x1  }
0xa6: {  	[sflag:s24] =	ssyncset.done $0x0  }
0xa7: {  	s25 =	simm.s32 $0x1B8E;
	[sflag:s24] =	ssyncadd.s32 $0xFFFFFFFF  }
0xa8: {  	s26 =	simm.s32 $execute0_lowered;
	[smem:$0x3FD2] =	sst s25  }
0xa9: {  	s7 =	sshll.u32 s26, $0x1;
	_ =	strace $0x80000046;
	[dreg:$0x1] =	wrdreg $0xFFFFFFFF  }
0xaa: {  	s28 =	simm.s32 $_size_execute0_lowered;
	s6 =	sadd.s32 s6, s7;
	[dreg:$0x0] =	wrdreg $0x0  }
0xab: {  	s7 =	sshll.u32 s28, $0x1;
	[dreg:$0x2] =	wrdreg s6  }
0xac: {  	[dreg:$0x3] =	wrdreg s7  }
0xad: {  	[dreg:$0x4] =	wrdreg $0xC0  }
0xae: {  	_ =	task [dreg:s10], $0x5FFFF  }
0xaf: {  	[dreg:$0x1] =	wrdreg $0xFFFFFFFF  }
0xb0: {  	[dreg:$0x0] =	wrdreg $0x60  }
0xb1: {  	[dreg:$0x2] =	wrdreg s2  }
0xb2: {  	[dreg:$0x3] =	wrdreg s19  }
0xb3: {  	[dreg:$0x4] =	wrdreg s4  }
0xb4: {  	[dreg:$0x5] =	wrdreg s5  }
0xb5: {  	[dreg:$0x6] =	wrdreg $0x9  }
0xb6: {  	_ =	task.clear_ibuf [dreg:s10], $0x7FFFF;
	_ =	strace $0x90000046  }
0xb7: {  	s29 =	simm.s32 $0x9;
	_ =	strace $0x80000048  }
0xb8: {  	_ =	swait.ge [sflag:s29], $0x1  }
0xb9: {  	[sflag:s29] =	ssyncadd.s32 $0xFFFFFFFF  }
0xba: {  	_ =	strace $0x90000048  }
0xbb: {  	_ =	sfence  }
0xbc: {  	s30 =	sld [smem:$0x0];
	_ =	sdelay $0x2  }
0xbd: {  	s31 =	sshll.u32 s1, $0xD;
	s1 =	sshrl.u32 s1, $0x2  }
0xbe: {  	s3 =	sand.u32 $0x4000, s31;
	s1 =	sadd.s32 s1, s30  }
0xbf: {  	s0 =	sor.u32 s3, s0;
	s1 =	sshll.u32 s1, $0x11  }
0xc0: {  	s0 =	sor.u32 s1, s0  }
0xc1: {  	s0 =	sadd.s32 $0x8F2B, s0  }
0xc2: {  	[sflag:s0] =	ssyncadd.remote.s32 $0x1  }
0xc3: {  	_ =	sfence.sel $0xFFFF  }
0xc4: {  	[dreg:$0x0] =	wrdreg $0xFFFFFFFF;
	(pc) =	sbr.abs _section_cstart, $3  }
0xc5: {  	[dreg:$0x1] =	wrdreg $0xFFFFFFFF  }
0xc6: {  	_ =	task.clear_ibuf [dreg:s10], $0x2FFFF;
	_ =	strace $0x9FFFFFFF  }
0xc7: {  	(tm) =	ssettm $0x7FFFFFFF  }
tec
execute0_lowered:
.L_overlay_start_1:
0x0: {  	(tag) =	ssettag $0x1  }
0x1: {  	s12 =	rddreg [dreg:$0x0];
	s0 =	srdreg.scid  }
0x2: {  	s3 =	rddreg [dreg:$0x1];
	s11 =	stileid.u32;
	s0 =	sand.u32 $0x1, s0  }
0x3: {  	s1 =	rddreg [dreg:$0x2];
	s5 =	sshll.u32 s11, $0x8;
	s6 =	sshll.u32 s0, $0x7  }
0x4: {  	s4 =	rddreg [dreg:$0x3];
	s5 =	sor.u32 s6, s5  }
0x5: {  	s2 =	simm.s32 $0x0;
	s31 =	sadd.s32 s1, s5;
	s13 =	sshll.u32 s5, $0x4  }
0x6: {  	[smem:$0x7FF] =	sst s2;
	s14 =	sadd.s32 $0x3000, s31;
	s29 =	sadd.s32 s4, s13  }
0x7: {  	_ =	strace $0x80000047;
	[dreg:$0x5] =	wrdreg s14;
	s1 =	sadd.s32 $0x10000, s29  }
0x8: {  	s15 =	sadd.s32 $0x20000, s29;
	[dreg:$0x6] =	wrdreg s1  }
0x9: {  	s16 =	sadd.s32 $0x30000, s29;
	[dreg:$0x7] =	wrdreg s15  }
0xa: {  	s17 =	sadd.s32 $0x40000, s29;
	[dreg:$0x8] =	wrdreg s16  }
0xb: {  	s18 =	sadd.s32 $0x50000, s29;
	[dreg:$0x9] =	wrdreg s17  }
0xc: {  	s19 =	sadd.s32 $0x60000, s29;
	[dreg:$0xa] =	wrdreg s18  }
0xd: {  	s20 =	sadd.s32 $0x70000, s29;
	[dreg:$0xb] =	wrdreg s19  }
0xe: {  	s21 =	sadd.s32 $0x80000, s29;
	[dreg:$0xc] =	wrdreg s20  }
0xf: {  	s22 =	sadd.s32 $0x90000, s29;
	[dreg:$0xd] =	wrdreg s21  }
0x10: {  	s23 =	sadd.s32 $0xA0000, s29;
	[dreg:$0xe] =	wrdreg s22  }
0x11: {  	s24 =	sadd.s32 $0xB0000, s29;
	[dreg:$0xf] =	wrdreg s23  }
0x12: {  	s25 =	sadd.s32 $0xC0000, s29;
	[dreg:$0x10] =	wrdreg s24  }
0x13: {  	s26 =	sadd.s32 $0xD0000, s29;
	[dreg:$0x11] =	wrdreg s25  }
0x14: {  	s4 =	sadd.s32 $0xE0000, s29;
	[dreg:$0x12] =	wrdreg s26  }
0x15: {  	s5 =	sadd.s32 $0xF0000, s29;
	[dreg:$0x13] =	wrdreg s4  }
0x16: {  	s6 =	sadd.s32 $0x100000, s29;
	[dreg:$0x14] =	wrdreg s5  }
0x17: {  	s7 =	sadd.s32 $0x110000, s29;
	[dreg:$0x15] =	wrdreg s6  }
0x18: {  	s8 =	sadd.s32 $0x120000, s29;
	[dreg:$0x16] =	wrdreg s7  }
0x19: {  	s9 =	sadd.s32 $0x130000, s29;
	[dreg:$0x17] =	wrdreg s8  }
0x1a: {  	s10 =	sadd.s32 $0x140000, s29;
	[dreg:$0x18] =	wrdreg s9  }
0x1b: {  	s30 =	simm.s32 $0x500;
	s13 =	sadd.s32 $0x150000, s29;
	[dreg:$0x19] =	wrdreg s10  }
0x1c: {  	s28 =	simm.s32 $0x580;
	s14 =	sadd.s32 $0x160000, s29;
	[dreg:$0x1a] =	wrdreg s13  }
0x1d: {  	p0 =	por $0x0, $0x0;
	s0 =	ssub.s32 $0x2, s0;
	[dreg:$0x1b] =	wrdreg s14  }
0x1e: {  	s15 =	sadd.s32 $0x170000, s29;
	s16 =	sadd.s32 $0x180000, s29;
	s17 =	sshrl.u32 s0, $0x1  }
0x1f: {  	s18 =	sadd.s32 $0x190000, s29;
	s19 =	simm.s32 $0x8000;
	s26 =	simm.s32 $0x400  }
0x20: {  	s10 =	simm.s32 $0xC00;
	s4 =	simm.s32 $0x3;
	[dreg:$0x1c] =	wrdreg s15  }
0x21: {  	s20 =	simm.s32 $0x100;
	s7 =	simm.s32 $0x80;
	[dreg:$0x1d] =	wrdreg s16  }
0x22: {  	s21 =	simm.s32 $0x180;
	s6 =	simm.s32 $0x1000;
	[dreg:$0x1e] =	wrdreg s18  }
0x23: {  	s22 =	simm.s32 $0x200;
	s5 =	simm.s32 $0x5000;
	[dreg:$0x1f] =	wrdreg s19  }
0x24: {  	s23 =	simm.s32 $0x280;
	s9 =	simm.s32 $0x1;
	[smem:$0x7F8] =	sst s20  }
0x25: {  	s24 =	simm.s32 $0x300;
	s8 =	simm.s32 $0x2;
	[smem:$0x7F9] =	sst s21  }
0x26: {  	s25 =	simm.s32 $0x380;
	s0 =	ssub.s32 s0, s17;
	[smem:$0x7FA] =	sst s22  }
0x27: {  	s14 =	simm.s32 $0xB80;
	[smem:$0x7FB] =	sst s23;
	s0 =	smax.u32 s0, $0x1  }
0x28: {  	s13 =	simm.s32 $0xC80;
	[smem:$0x7FC] =	sst s24;
	p1 =	sne.s32 s0, $0x1  }
.Ltmp0:
0x29: {  	[smem:$0x7FD] =	sst s25;
	s25 =	simm.s32 $0x600;
	(pc) =	sbr.rel @!p1 .LBB2_1-.Ltmp0, $4  }
0x2a: {  	s24 =	simm.s32 $0x680;
	s23 =	simm.s32 $0x700;
	s22 =	simm.s32 $0x780  }
0x2b: {  	s21 =	simm.s32 $0x800;
	s20 =	simm.s32 $0x880;
	s19 =	simm.s32 $0x900  }
0x2c: {  	s18 =	simm.s32 $0x980;
	s17 =	simm.s32 $0xA00;
	s16 =	simm.s32 $0xA80  }
0x2d: {  	s15 =	simm.s32 $0xB00;
	s1 =	sadd.s32 $0xFFFFFFFF, s0;
	s0 =	rddreg [dreg:$0x1f]  }
0x2e: {  	[tilespmem:s2], [sflag:$0x3] =	stream.strided.gather [hbm4b:s31+s26], $0xC00, s0, s26, $0x38;
	[tilespmem:$0x9000] =	vst v63  }
0x2f: {  	s11 =	smov.u32 s1;
	s1 =	rddreg [dreg:$0x5]  }
0x30: {  	[tilespmem:s10], [sflag:$0x3] =	stream.linear.gather [hbm4b:s1+s2], $0x100, $0x38;
	[tilespmem:$0x9000] =	vst v63  }
0x31: {  	_ =	swait.ge [sflag:s4], $0xD00  }
0x32: {  	[sflag:s4] =	ssyncset.done $0x0  }
0x33: {  	[sflag:s4] =	ssyncadd.s32 $0xFFFFF300  }
0x34: {  	[tilespmem:s6], [sflag:$0x1] =	stream.indirect.gather [hbm4b:s12+s7], $0x80, s2, s7, $0xb8;
	[tilespmem:$0x9000] =	vst v63  }
0x35: {  	_ = 	snop  }
0x36: {  	[tilespmem:s5], [sflag:$0x2] =	stream.indirect.gather [hbm4b:s12+s7], $0x80, s7, s7, $0xb8;
	[tilespmem:$0x9000] =	vst v63  }
0x37: {  	_ =	swait.ge [sflag:s9], $0x4000  }
0x38: {  	[sflag:s9] =	ssyncset.done $0x0  }
0x39: {  	[sflag:s9] =	ssyncadd.s32 $0xFFFFC000  }
0x3a: {  	[hbm4b:s29+s2] =	stream.linear.scatter [tilespmem:s6], [sflag:$0x3], $0x4000, $0x38;
	[tilespmem:$0x9000] =	vst v63  }
0x3b: {  	_ =	swait.ge [sflag:s4], $0x4000  }
0x3c: {  	s1 =	sld [smem:$0x7F8]  }
0x3d: {  	[sflag:s4] =	ssyncset.done $0x0  }
0x3e: {  	[sflag:s4] =	ssyncadd.s32 $0xFFFFC000  }
0x3f: {  	[tilespmem:s6], [sflag:$0x1] =	stream.indirect.gather [hbm4b:s12+s7], $0x80, s1, s7, $0xb8;
	[tilespmem:$0x9000] =	vst v63  }
0x40: {  	_ =	swait.ge [sflag:s8], $0x4000  }
0x41: {  	[sflag:s8] =	ssyncset.done $0x0  }
0x42: {  	s1 =	rddreg [dreg:$0x6];
	[sflag:s8] =	ssyncadd.s32 $0xFFFFC000  }
0x43: {  	[hbm4b:s1+s2] =	stream.linear.scatter [tilespmem:s5], [sflag:$0x3], $0x4000, $0x38;
	[tilespmem:$0x9000] =	vst v63  }
0x44: {  	_ =	swait.ge [sflag:s4], $0x4000  }
0x45: {  	s1 =	sld [smem:$0x7F9]  }
0x46: {  	[sflag:s4] =	ssyncset.done $0x0  }
0x47: {  	[sflag:s4] =	ssyncadd.s32 $0xFFFFC000  }
0x48: {  	[tilespmem:s5], [sflag:$0x2] =	stream.indirect.gather [hbm4b:s12+s7], $0x80, s1, s7, $0xb8;
	[tilespmem:$0x9000] =	vst v63  }
0x49: {  	_ =	swait.ge [sflag:s9], $0x4000  }
0x4a: {  	[sflag:s9] =	ssyncset.done $0x0  }
0x4b: {  	s1 =	rddreg [dreg:$0x7];
	[sflag:s9] =	ssyncadd.s32 $0xFFFFC000  }
0x4c: {  	[hbm4b:s1+s2] =	stream.linear.scatter [tilespmem:s6], [sflag:$0x3], $0x4000, $0x38;
	[tilespmem:$0x9000] =	vst v63  }
0x4d: {  	_ =	swait.ge [sflag:s4], $0x4000  }
0x4e: {  	s1 =	sld [smem:$0x7FA]  }
0x4f: {  	[sflag:s4] =	ssyncset.done $0x0  }
0x50: {  	[sflag:s4] =	ssyncadd.s32 $0xFFFFC000  }
0x51: {  	[tilespmem:s6], [sflag:$0x1] =	stream.indirect.gather [hbm4b:s12+s7], $0x80, s1, s7, $0xb8;
	[tilespmem:$0x9000] =	vst v63  }
0x52: {  	_ =	swait.ge [sflag:s8], $0x4000  }
0x53: {  	[sflag:s8] =	ssyncset.done $0x0  }
0x54: {  	s1 =	rddreg [dreg:$0x8];
	[sflag:s8] =	ssyncadd.s32 $0xFFFFC000  }
0x55: {  	[hbm4b:s1+s2] =	stream.linear.scatter [tilespmem:s5], [sflag:$0x3], $0x4000, $0x38;
	[tilespmem:$0x9000] =	vst v63  }
0x56: {  	_ =	swait.ge [sflag:s4], $0x4000  }
0x57: {  	s1 =	sld [smem:$0x7FB]  }
0x58: {  	[sflag:s4] =	ssyncset.done $0x0  }
0x59: {  	[sflag:s4] =	ssyncadd.s32 $0xFFFFC000  }
0x5a: {  	[tilespmem:s5], [sflag:$0x2] =	stream.indirect.gather [hbm4b:s12+s7], $0x80, s1, s7, $0xb8;
	[tilespmem:$0x9000] =	vst v63  }
0x5b: {  	_ =	swait.ge [sflag:s9], $0x4000  }
0x5c: {  	[sflag:s9] =	ssyncset.done $0x0  }
0x5d: {  	s1 =	rddreg [dreg:$0x9];
	[sflag:s9] =	ssyncadd.s32 $0xFFFFC000  }
0x5e: {  	[hbm4b:s1+s2] =	stream.linear.scatter [tilespmem:s6], [sflag:$0x3], $0x4000, $0x38;
	[tilespmem:$0x9000] =	vst v63  }
0x5f: {  	_ =	swait.ge [sflag:s4], $0x4000  }
0x60: {  	s1 =	sld [smem:$0x7FC]  }
0x61: {  	[sflag:s4] =	ssyncset.done $0x0  }
0x62: {  	[sflag:s4] =	ssyncadd.s32 $0xFFFFC000  }
0x63: {  	[tilespmem:s6], [sflag:$0x1] =	stream.indirect.gather [hbm4b:s12+s7], $0x80, s1, s7, $0xb8;
	[tilespmem:$0x9000] =	vst v63  }
0x64: {  	_ =	swait.ge [sflag:s8], $0x4000  }
0x65: {  	[sflag:s8] =	ssyncset.done $0x0  }
0x66: {  	s1 =	rddreg [dreg:$0xa];
	[sflag:s8] =	ssyncadd.s32 $0xFFFFC000  }
0x67: {  	[hbm4b:s1+s2] =	stream.linear.scatter [tilespmem:s5], [sflag:$0x3], $0x4000, $0x38;
	[tilespmem:$0x9000] =	vst v63  }
0x68: {  	_ =	swait.ge [sflag:s4], $0x4000  }
0x69: {  	s1 =	sld [smem:$0x7FD]  }
0x6a: {  	[sflag:s4] =	ssyncset.done $0x0  }
0x6b: {  	[sflag:s4] =	ssyncadd.s32 $0xFFFFC000  }
0x6c: {  	[tilespmem:s5], [sflag:$0x2] =	stream.indirect.gather [hbm4b:s12+s7], $0x80, s1, s7, $0xb8;
	[tilespmem:$0x9000] =	vst v63  }
0x6d: {  	_ =	swait.ge [sflag:s9], $0x4000  }
0x6e: {  	[sflag:s9] =	ssyncset.done $0x0  }
0x6f: {  	s1 =	rddreg [dreg:$0xb];
	[sflag:s9] =	ssyncadd.s32 $0xFFFFC000  }
0x70: {  	[hbm4b:s1+s2] =	stream.linear.scatter [tilespmem:s6], [sflag:$0x3], $0x4000, $0x38;
	[tilespmem:$0x9000] =	vst v63  }
0x71: {  	_ =	swait.ge [sflag:s4], $0x4000  }
0x72: {  	[sflag:s4] =	ssyncset.done $0x0  }
0x73: {  	[sflag:s4] =	ssyncadd.s32 $0xFFFFC000  }
0x74: {  	[tilespmem:s6], [sflag:$0x1] =	stream.indirect.gather [hbm4b:s12+s7], $0x80, s26, s7, $0xb8;
	[tilespmem:$0x9000] =	vst v63  }
0x75: {  	_ =	swait.ge [sflag:s8], $0x4000  }
0x76: {  	[sflag:s8] =	ssyncset.done $0x0  }
0x77: {  	s1 =	rddreg [dreg:$0xc];
	[sflag:s8] =	ssyncadd.s32 $0xFFFFC000  }
0x78: {  	[hbm4b:s1+s2] =	stream.linear.scatter [tilespmem:s5], [sflag:$0x3], $0x4000, $0x38;
	[tilespmem:$0x9000] =	vst v63  }
0x79: {  	_ =	swait.ge [sflag:s4], $0x4000  }
0x7a: {  	[sflag:s4] =	ssyncset.done $0x0  }
0x7b: {  	s1 =	simm.s32 $0x480;
	[sflag:s4] =	ssyncadd.s32 $0xFFFFC000  }
0x7c: {  	[tilespmem:s5], [sflag:$0x2] =	stream.indirect.gather [hbm4b:s12+s7], $0x80, s1, s7, $0xb8;
	[tilespmem:$0x9000] =	vst v63  }
0x7d: {  	_ =	swait.ge [sflag:s9], $0x4000  }
0x7e: {  	[sflag:s9] =	ssyncset.done $0x0  }
0x7f: {  	s1 =	rddreg [dreg:$0xd];
	[sflag:s9] =	ssyncadd.s32 $0xFFFFC000  }
0x80: {  	[hbm4b:s1+s2] =	stream.linear.scatter [tilespmem:s6], [sflag:$0x3], $0x4000, $0x38;
	[tilespmem:$0x9000] =	vst v63  }
0x81: {  	_ =	swait.ge [sflag:s4], $0x4000  }
0x82: {  	[sflag:s4] =	ssyncset.done $0x0  }
0x83: {  	[sflag:s4] =	ssyncadd.s32 $0xFFFFC000  }
0x84: {  	[tilespmem:s6], [sflag:$0x1] =	stream.indirect.gather [hbm4b:s12+s7], $0x80, s30, s7, $0xb8;
	[tilespmem:$0x9000] =	vst v63  }
0x85: {  	_ =	swait.ge [sflag:s8], $0x4000  }
0x86: {  	[sflag:s8] =	ssyncset.done $0x0  }
0x87: {  	s1 =	rddreg [dreg:$0xe];
	[sflag:s8] =	ssyncadd.s32 $0xFFFFC000  }
0x88: {  	[hbm4b:s1+s2] =	stream.linear.scatter [tilespmem:s5], [sflag:$0x3], $0x4000, $0x38;
	[tilespmem:$0x9000] =	vst v63  }
0x89: {  	_ =	swait.ge [sflag:s4], $0x4000  }
0x8a: {  	[sflag:s4] =	ssyncset.done $0x0  }
0x8b: {  	[sflag:s4] =	ssyncadd.s32 $0xFFFFC000  }
0x8c: {  	[tilespmem:s5], [sflag:$0x2] =	stream.indirect.gather [hbm4b:s12+s7], $0x80, s28, s7, $0xb8;
	[tilespmem:$0x9000] =	vst v63  }
0x8d: {  	_ =	swait.ge [sflag:s9], $0x4000  }
0x8e: {  	[sflag:s9] =	ssyncset.done $0x0  }
0x8f: {  	s1 =	rddreg [dreg:$0xf];
	[sflag:s9] =	ssyncadd.s32 $0xFFFFC000  }
0x90: {  	[hbm4b:s1+s2] =	stream.linear.scatter [tilespmem:s6], [sflag:$0x3], $0x4000, $0x38;
	[tilespmem:$0x9000] =	vst v63  }
0x91: {  	_ =	swait.ge [sflag:s4], $0x4000  }
0x92: {  	[sflag:s4] =	ssyncset.done $0x0  }
0x93: {  	[sflag:s4] =	ssyncadd.s32 $0xFFFFC000  }
0x94: {  	[tilespmem:s6], [sflag:$0x1] =	stream.indirect.gather [hbm4b:s12+s7], $0x80, s25, s7, $0xb8;
	[tilespmem:$0x9000] =	vst v63  }
0x95: {  	_ =	swait.ge [sflag:s8], $0x4000  }
0x96: {  	[sflag:s8] =	ssyncset.done $0x0  }
0x97: {  	s1 =	rddreg [dreg:$0x10];
	[sflag:s8] =	ssyncadd.s32 $0xFFFFC000  }
0x98: {  	[hbm4b:s1+s2] =	stream.linear.scatter [tilespmem:s5], [sflag:$0x3], $0x4000, $0x38;
	[tilespmem:$0x9000] =	vst v63  }
0x99: {  	_ =	swait.ge [sflag:s4], $0x4000  }
0x9a: {  	[sflag:s4] =	ssyncset.done $0x0  }
0x9b: {  	[sflag:s4] =	ssyncadd.s32 $0xFFFFC000  }
0x9c: {  	[tilespmem:s5], [sflag:$0x2] =	stream.indirect.gather [hbm4b:s3+s7], $0x80, s24, s7, $0xb8;
	[tilespmem:$0x9000] =	vst v63  }
0x9d: {  	_ =	swait.ge [sflag:s9], $0x4000  }
0x9e: {  	[sflag:s9] =	ssyncset.done $0x0  }
0x9f: {  	s1 =	rddreg [dreg:$0x11];
	[sflag:s9] =	ssyncadd.s32 $0xFFFFC000  }
0xa0: {  	[hbm4b:s1+s2] =	stream.linear.scatter [tilespmem:s6], [sflag:$0x3], $0x4000, $0x38;
	[tilespmem:$0x9000] =	vst v63  }
0xa1: {  	_ =	swait.ge [sflag:s4], $0x4000  }
0xa2: {  	[sflag:s4] =	ssyncset.done $0x0  }
0xa3: {  	[sflag:s4] =	ssyncadd.s32 $0xFFFFC000  }
0xa4: {  	[tilespmem:s6], [sflag:$0x1] =	stream.indirect.gather [hbm4b:s3+s7], $0x80, s23, s7, $0xb8;
	[tilespmem:$0x9000] =	vst v63  }
0xa5: {  	_ =	swait.ge [sflag:s8], $0x4000  }
0xa6: {  	[sflag:s8] =	ssyncset.done $0x0  }
0xa7: {  	s1 =	rddreg [dreg:$0x12];
	[sflag:s8] =	ssyncadd.s32 $0xFFFFC000  }
0xa8: {  	[hbm4b:s1+s2] =	stream.linear.scatter [tilespmem:s5], [sflag:$0x3], $0x4000, $0x38;
	[tilespmem:$0x9000] =	vst v63  }
0xa9: {  	_ =	swait.ge [sflag:s4], $0x4000  }
0xaa: {  	[sflag:s4] =	ssyncset.done $0x0  }
0xab: {  	[sflag:s4] =	ssyncadd.s32 $0xFFFFC000  }
0xac: {  	[tilespmem:s5], [sflag:$0x2] =	stream.indirect.gather [hbm4b:s3+s7], $0x80, s22, s7, $0xb8;
	[tilespmem:$0x9000] =	vst v63  }
0xad: {  	_ =	swait.ge [sflag:s9], $0x4000  }
0xae: {  	[sflag:s9] =	ssyncset.done $0x0  }
0xaf: {  	s1 =	rddreg [dreg:$0x13];
	[sflag:s9] =	ssyncadd.s32 $0xFFFFC000  }
0xb0: {  	[hbm4b:s1+s2] =	stream.linear.scatter [tilespmem:s6], [sflag:$0x3], $0x4000, $0x38;
	[tilespmem:$0x9000] =	vst v63  }
0xb1: {  	_ =	swait.ge [sflag:s4], $0x4000  }
0xb2: {  	[sflag:s4] =	ssyncset.done $0x0  }
0xb3: {  	[sflag:s4] =	ssyncadd.s32 $0xFFFFC000  }
0xb4: {  	[tilespmem:s6], [sflag:$0x1] =	stream.indirect.gather [hbm4b:s3+s7], $0x80, s21, s7, $0xb8;
	[tilespmem:$0x9000] =	vst v63  }
0xb5: {  	_ =	swait.ge [sflag:s8], $0x4000  }
0xb6: {  	[sflag:s8] =	ssyncset.done $0x0  }
0xb7: {  	s1 =	rddreg [dreg:$0x14];
	[sflag:s8] =	ssyncadd.s32 $0xFFFFC000  }
0xb8: {  	[hbm4b:s1+s2] =	stream.linear.scatter [tilespmem:s5], [sflag:$0x3], $0x4000, $0x38;
	[tilespmem:$0x9000] =	vst v63  }
0xb9: {  	_ =	swait.ge [sflag:s4], $0x4000  }
0xba: {  	[sflag:s4] =	ssyncset.done $0x0  }
0xbb: {  	[sflag:s4] =	ssyncadd.s32 $0xFFFFC000  }
0xbc: {  	[tilespmem:s5], [sflag:$0x2] =	stream.indirect.gather [hbm4b:s3+s7], $0x80, s20, s7, $0xb8;
	[tilespmem:$0x9000] =	vst v63  }
0xbd: {  	_ =	swait.ge [sflag:s9], $0x4000  }
0xbe: {  	[sflag:s9] =	ssyncset.done $0x0  }
0xbf: {  	s1 =	rddreg [dreg:$0x15];
	[sflag:s9] =	ssyncadd.s32 $0xFFFFC000  }
0xc0: {  	[hbm4b:s1+s2] =	stream.linear.scatter [tilespmem:s6], [sflag:$0x3], $0x4000, $0x38;
	[tilespmem:$0x9000] =	vst v63  }
0xc1: {  	_ =	swait.ge [sflag:s4], $0x4000  }
0xc2: {  	[sflag:s4] =	ssyncset.done $0x0  }
0xc3: {  	[sflag:s4] =	ssyncadd.s32 $0xFFFFC000  }
0xc4: {  	[tilespmem:s6], [sflag:$0x1] =	stream.indirect.gather [hbm4b:s3+s7], $0x80, s19, s7, $0xb8;
	[tilespmem:$0x9000] =	vst v63  }
0xc5: {  	_ =	swait.ge [sflag:s8], $0x4000  }
0xc6: {  	[sflag:s8] =	ssyncset.done $0x0  }
0xc7: {  	s1 =	rddreg [dreg:$0x16];
	[sflag:s8] =	ssyncadd.s32 $0xFFFFC000  }
0xc8: {  	[hbm4b:s1+s2] =	stream.linear.scatter [tilespmem:s5], [sflag:$0x3], $0x4000, $0x38;
	[tilespmem:$0x9000] =	vst v63  }
0xc9: {  	_ =	swait.ge [sflag:s4], $0x4000  }
0xca: {  	[sflag:s4] =	ssyncset.done $0x0  }
0xcb: {  	[sflag:s4] =	ssyncadd.s32 $0xFFFFC000  }
0xcc: {  	[tilespmem:s5], [sflag:$0x2] =	stream.indirect.gather [hbm4b:s3+s7], $0x80, s18, s7, $0xb8;
	[tilespmem:$0x9000] =	vst v63  }
0xcd: {  	_ =	swait.ge [sflag:s9], $0x4000  }
0xce: {  	[sflag:s9] =	ssyncset.done $0x0  }
0xcf: {  	s1 =	rddreg [dreg:$0x17];
	[sflag:s9] =	ssyncadd.s32 $0xFFFFC000  }
0xd0: {  	[hbm4b:s1+s2] =	stream.linear.scatter [tilespmem:s6], [sflag:$0x3], $0x4000, $0x38;
	[tilespmem:$0x9000] =	vst v63  }
0xd1: {  	_ =	swait.ge [sflag:s4], $0x4000  }
0xd2: {  	[sflag:s4] =	ssyncset.done $0x0  }
0xd3: {  	[sflag:s4] =	ssyncadd.s32 $0xFFFFC000  }
0xd4: {  	[tilespmem:s6], [sflag:$0x1] =	stream.indirect.gather [hbm4b:s3+s7], $0x80, s17, s7, $0xb8;
	[tilespmem:$0x9000] =	vst v63  }
0xd5: {  	_ =	swait.ge [sflag:s8], $0x4000  }
0xd6: {  	[sflag:s8] =	ssyncset.done $0x0  }
0xd7: {  	s1 =	rddreg [dreg:$0x18];
	[sflag:s8] =	ssyncadd.s32 $0xFFFFC000  }
0xd8: {  	[hbm4b:s1+s2] =	stream.linear.scatter [tilespmem:s5], [sflag:$0x3], $0x4000, $0x38;
	[tilespmem:$0x9000] =	vst v63  }
0xd9: {  	_ =	swait.ge [sflag:s4], $0x4000  }
0xda: {  	[sflag:s4] =	ssyncset.done $0x0  }
0xdb: {  	[sflag:s4] =	ssyncadd.s32 $0xFFFFC000  }
0xdc: {  	[tilespmem:s5], [sflag:$0x2] =	stream.indirect.gather [hbm4b:s3+s7], $0x80, s16, s7, $0xb8;
	[tilespmem:$0x9000] =	vst v63  }
0xdd: {  	_ =	swait.ge [sflag:s9], $0x4000  }
0xde: {  	[sflag:s9] =	ssyncset.done $0x0  }
0xdf: {  	s1 =	rddreg [dreg:$0x19];
	[sflag:s9] =	ssyncadd.s32 $0xFFFFC000  }
0xe0: {  	[hbm4b:s1+s2] =	stream.linear.scatter [tilespmem:s6], [sflag:$0x3], $0x4000, $0x38;
	[tilespmem:$0x9000] =	vst v63  }
0xe1: {  	_ =	swait.ge [sflag:s4], $0x4000  }
0xe2: {  	[sflag:s4] =	ssyncset.done $0x0  }
0xe3: {  	[sflag:s4] =	ssyncadd.s32 $0xFFFFC000  }
0xe4: {  	[tilespmem:s6], [sflag:$0x1] =	stream.indirect.gather [hbm4b:s3+s7], $0x80, s15, s7, $0xb8;
	[tilespmem:$0x9000] =	vst v63  }
0xe5: {  	_ =	swait.ge [sflag:s8], $0x4000  }
0xe6: {  	[sflag:s8] =	ssyncset.done $0x0  }
0xe7: {  	s1 =	rddreg [dreg:$0x1a];
	[sflag:s8] =	ssyncadd.s32 $0xFFFFC000  }
0xe8: {  	[hbm4b:s1+s2] =	stream.linear.scatter [tilespmem:s5], [sflag:$0x3], $0x4000, $0x38;
	[tilespmem:$0x9000] =	vst v63  }
0xe9: {  	_ =	swait.ge [sflag:s4], $0x4000  }
0xea: {  	[sflag:s4] =	ssyncset.done $0x0  }
0xeb: {  	[sflag:s4] =	ssyncadd.s32 $0xFFFFC000  }
0xec: {  	[tilespmem:s5], [sflag:$0x2] =	stream.indirect.gather [hbm4b:s3+s7], $0x80, s14, s7, $0xb8;
	[tilespmem:$0x9000] =	vst v63  }
0xed: {  	_ =	swait.ge [sflag:s9], $0x4000  }
0xee: {  	[sflag:s9] =	ssyncset.done $0x0  }
0xef: {  	s1 =	rddreg [dreg:$0x1b];
	[sflag:s9] =	ssyncadd.s32 $0xFFFFC000  }
0xf0: {  	[hbm4b:s1+s2] =	stream.linear.scatter [tilespmem:s6], [sflag:$0x3], $0x4000, $0x38;
	[tilespmem:$0x9000] =	vst v63  }
0xf1: {  	_ =	swait.ge [sflag:s4], $0x4000  }
0xf2: {  	[sflag:s4] =	ssyncset.done $0x0  }
0xf3: {  	[sflag:s4] =	ssyncadd.s32 $0xFFFFC000  }
0xf4: {  	[tilespmem:s6], [sflag:$0x1] =	stream.indirect.gather [hbm4b:s3+s7], $0x80, s10, s7, $0xb8;
	[tilespmem:$0x9000] =	vst v63  }
0xf5: {  	_ =	swait.ge [sflag:s8], $0x4000  }
0xf6: {  	[sflag:s8] =	ssyncset.done $0x0  }
0xf7: {  	s1 =	rddreg [dreg:$0x1c];
	[sflag:s8] =	ssyncadd.s32 $0xFFFFC000  }
0xf8: {  	[hbm4b:s1+s2] =	stream.linear.scatter [tilespmem:s5], [sflag:$0x3], $0x4000, $0x38;
	[tilespmem:$0x9000] =	vst v63  }
0xf9: {  	_ =	swait.ge [sflag:s4], $0x4000  }
0xfa: {  	[sflag:s4] =	ssyncset.done $0x0  }
0xfb: {  	[sflag:s4] =	ssyncadd.s32 $0xFFFFC000  }
0xfc: {  	[tilespmem:s5], [sflag:$0x2] =	stream.indirect.gather [hbm4b:s3+s7], $0x80, s13, s7, $0xb8;
	[tilespmem:$0x9000] =	vst v63  }
0xfd: {  	_ =	swait.ge [sflag:s9], $0x4000  }
0xfe: {  	[sflag:s9] =	ssyncset.done $0x0  }
0xff: {  	s1 =	rddreg [dreg:$0x1d];
	[sflag:s9] =	ssyncadd.s32 $0xFFFFC000  }
0x100: {  	[hbm4b:s1+s2] =	stream.linear.scatter [tilespmem:s6], [sflag:$0x3], $0x4000, $0x38;
	[tilespmem:$0x9000] =	vst v63  }
0x101: {  	_ =	swait.ge [sflag:s4], $0x4000  }
0x102: {  	[sflag:s4] =	ssyncset.done $0x0  }
0x103: {  	[sflag:s4] =	ssyncadd.s32 $0xFFFFC000  }
0x104: {  	p1 =	sne.s32 s11, $0x1;
	_ =	swait.ge [sflag:s8], $0x4000  }
.Ltmp1:
0x105: {  	[sflag:s8] =	ssyncset.done $0x0;
	(pc) =	sbr.rel @!p1 .LBB2_3-.Ltmp1, $4  }
0x106: {  	s1 =	rddreg [dreg:$0x1e];
	[sflag:s8] =	ssyncadd.s32 $0xFFFFC000  }
0x107: {  	[hbm4b:s1+s2] =	stream.linear.scatter [tilespmem:s5], [sflag:$0x3], $0x4000, $0x38;
	[tilespmem:$0x9000] =	vst v63  }
0x108: {  	p0 =	por $0x1, $0x1;
	_ =	swait.ge [sflag:s4], $0x4000  }
0x109: {  	s1 =	sadd.s32 $0xFFFFFFFF, s11;
	s0 =	rddreg [dreg:$0x1f];
	[sflag:s4] =	ssyncset.done $0x0  }
.LBB2_4:
0x10a: {  	[sflag:s4] =	ssyncadd.s32 $0xFFFFC000  }
0x10b: {  	[tilespmem:s2], [sflag:$0x3] =	stream.strided.gather [hbm4b:s31+s26], $0xC00, s0, s26, $0x38;
	[tilespmem:$0x9000] =	vst v63  }
0x10c: {  	s11 =	rddreg [dreg:$0x5]  }
0x10d: {  	[tilespmem:s10], [sflag:$0x3] =	stream.linear.gather [hbm4b:s11+s2], $0x100, $0x38;
	[tilespmem:$0x9000] =	vst v63  }
0x10e: {  	_ =	swait.ge [sflag:s4], $0xD00  }
0x10f: {  	[sflag:s4] =	ssyncset.done $0x0  }
0x110: {  	[sflag:s4] =	ssyncadd.s32 $0xFFFFF300  }
0x111: {  	[tilespmem:s6], [sflag:$0x1] =	stream.indirect.gather [hbm4b:s12+s7], $0x80, s2, s7, $0xb8;
	[tilespmem:$0x9000] =	vst v63  }
0x112: {  	_ = 	snop  }
0x113: {  	[tilespmem:s5], [sflag:$0x2] =	stream.indirect.gather [hbm4b:s12+s7], $0x80, s7, s7, $0xb8;
	[tilespmem:$0x9000] =	vst v63  }
0x114: {  	_ =	swait.ge [sflag:s9], $0x4000  }
0x115: {  	[sflag:s9] =	ssyncset.done $0x0  }
0x116: {  	[sflag:s9] =	ssyncadd.s32 $0xFFFFC000  }
0x117: {  	[hbm4b:s29+s2] =	stream.linear.scatter [tilespmem:s6], [sflag:$0x3], $0x4000, $0x38;
	[tilespmem:$0x9000] =	vst v63  }
0x118: {  	_ =	swait.ge [sflag:s4], $0x4000  }
0x119: {  	s11 =	sld [smem:$0x7F8]  }
0x11a: {  	[sflag:s4] =	ssyncset.done $0x0  }
0x11b: {  	[sflag:s4] =	ssyncadd.s32 $0xFFFFC000  }
0x11c: {  	[tilespmem:s6], [sflag:$0x1] =	stream.indirect.gather [hbm4b:s12+s7], $0x80, s11, s7, $0xb8;
	[tilespmem:$0x9000] =	vst v63  }
0x11d: {  	_ =	swait.ge [sflag:s8], $0x4000  }
0x11e: {  	[sflag:s8] =	ssyncset.done $0x0  }
0x11f: {  	s11 =	rddreg [dreg:$0x6];
	[sflag:s8] =	ssyncadd.s32 $0xFFFFC000  }
0x120: {  	[hbm4b:s11+s2] =	stream.linear.scatter [tilespmem:s5], [sflag:$0x3], $0x4000, $0x38;
	[tilespmem:$0x9000] =	vst v63  }
0x121: {  	_ =	swait.ge [sflag:s4], $0x4000  }
0x122: {  	s11 =	sld [smem:$0x7F9]  }
0x123: {  	[sflag:s4] =	ssyncset.done $0x0  }
0x124: {  	[sflag:s4] =	ssyncadd.s32 $0xFFFFC000  }
0x125: {  	[tilespmem:s5], [sflag:$0x2] =	stream.indirect.gather [hbm4b:s12+s7], $0x80, s11, s7, $0xb8;
	[tilespmem:$0x9000] =	vst v63  }
0x126: {  	_ =	swait.ge [sflag:s9], $0x4000  }
0x127: {  	[sflag:s9] =	ssyncset.done $0x0  }
0x128: {  	s11 =	rddreg [dreg:$0x7];
	[sflag:s9] =	ssyncadd.s32 $0xFFFFC000  }
0x129: {  	[hbm4b:s11+s2] =	stream.linear.scatter [tilespmem:s6], [sflag:$0x3], $0x4000, $0x38;
	[tilespmem:$0x9000] =	vst v63  }
0x12a: {  	_ =	swait.ge [sflag:s4], $0x4000  }
0x12b: {  	s11 =	sld [smem:$0x7FA]  }
0x12c: {  	[sflag:s4] =	ssyncset.done $0x0  }
0x12d: {  	[sflag:s4] =	ssyncadd.s32 $0xFFFFC000  }
0x12e: {  	[tilespmem:s6], [sflag:$0x1] =	stream.indirect.gather [hbm4b:s12+s7], $0x80, s11, s7, $0xb8;
	[tilespmem:$0x9000] =	vst v63  }
0x12f: {  	_ =	swait.ge [sflag:s8], $0x4000  }
0x130: {  	[sflag:s8] =	ssyncset.done $0x0  }
0x131: {  	s11 =	rddreg [dreg:$0x8];
	[sflag:s8] =	ssyncadd.s32 $0xFFFFC000  }
0x132: {  	[hbm4b:s11+s2] =	stream.linear.scatter [tilespmem:s5], [sflag:$0x3], $0x4000, $0x38;
	[tilespmem:$0x9000] =	vst v63  }
0x133: {  	_ =	swait.ge [sflag:s4], $0x4000  }
0x134: {  	s11 =	sld [smem:$0x7FB]  }
0x135: {  	[sflag:s4] =	ssyncset.done $0x0  }
0x136: {  	[sflag:s4] =	ssyncadd.s32 $0xFFFFC000  }
0x137: {  	[tilespmem:s5], [sflag:$0x2] =	stream.indirect.gather [hbm4b:s12+s7], $0x80, s11, s7, $0xb8;
	[tilespmem:$0x9000] =	vst v63  }
0x138: {  	_ =	swait.ge [sflag:s9], $0x4000  }
0x139: {  	[sflag:s9] =	ssyncset.done $0x0  }
0x13a: {  	s11 =	rddreg [dreg:$0x9];
	[sflag:s9] =	ssyncadd.s32 $0xFFFFC000  }
0x13b: {  	[hbm4b:s11+s2] =	stream.linear.scatter [tilespmem:s6], [sflag:$0x3], $0x4000, $0x38;
	[tilespmem:$0x9000] =	vst v63  }
0x13c: {  	_ =	swait.ge [sflag:s4], $0x4000  }
0x13d: {  	s11 =	sld [smem:$0x7FC]  }
0x13e: {  	[sflag:s4] =	ssyncset.done $0x0  }
0x13f: {  	[sflag:s4] =	ssyncadd.s32 $0xFFFFC000  }
0x140: {  	[tilespmem:s6], [sflag:$0x1] =	stream.indirect.gather [hbm4b:s12+s7], $0x80, s11, s7, $0xb8;
	[tilespmem:$0x9000] =	vst v63  }
0x141: {  	_ =	swait.ge [sflag:s8], $0x4000  }
0x142: {  	[sflag:s8] =	ssyncset.done $0x0  }
0x143: {  	s11 =	rddreg [dreg:$0xa];
	[sflag:s8] =	ssyncadd.s32 $0xFFFFC000  }
0x144: {  	[hbm4b:s11+s2] =	stream.linear.scatter [tilespmem:s5], [sflag:$0x3], $0x4000, $0x38;
	[tilespmem:$0x9000] =	vst v63  }
0x145: {  	_ =	swait.ge [sflag:s4], $0x4000  }
0x146: {  	s11 =	sld [smem:$0x7FD]  }
0x147: {  	[sflag:s4] =	ssyncset.done $0x0  }
0x148: {  	[sflag:s4] =	ssyncadd.s32 $0xFFFFC000  }
0x149: {  	[tilespmem:s5], [sflag:$0x2] =	stream.indirect.gather [hbm4b:s12+s7], $0x80, s11, s7, $0xb8;
	[tilespmem:$0x9000] =	vst v63  }
0x14a: {  	_ =	swait.ge [sflag:s9], $0x4000  }
0x14b: {  	[sflag:s9] =	ssyncset.done $0x0  }
0x14c: {  	s11 =	rddreg [dreg:$0xb];
	[sflag:s9] =	ssyncadd.s32 $0xFFFFC000  }
0x14d: {  	[hbm4b:s11+s2] =	stream.linear.scatter [tilespmem:s6], [sflag:$0x3], $0x4000, $0x38;
	[tilespmem:$0x9000] =	vst v63  }
0x14e: {  	_ =	swait.ge [sflag:s4], $0x4000  }
0x14f: {  	[sflag:s4] =	ssyncset.done $0x0  }
0x150: {  	[sflag:s4] =	ssyncadd.s32 $0xFFFFC000  }
0x151: {  	[tilespmem:s6], [sflag:$0x1] =	stream.indirect.gather [hbm4b:s12+s7], $0x80, s26, s7, $0xb8;
	[tilespmem:$0x9000] =	vst v63  }
0x152: {  	_ =	swait.ge [sflag:s8], $0x4000  }
0x153: {  	[sflag:s8] =	ssyncset.done $0x0  }
0x154: {  	s11 =	rddreg [dreg:$0xc];
	[sflag:s8] =	ssyncadd.s32 $0xFFFFC000  }
0x155: {  	[hbm4b:s11+s2] =	stream.linear.scatter [tilespmem:s5], [sflag:$0x3], $0x4000, $0x38;
	[tilespmem:$0x9000] =	vst v63  }
0x156: {  	_ =	swait.ge [sflag:s4], $0x4000  }
0x157: {  	[sflag:s4] =	ssyncset.done $0x0  }
0x158: {  	s11 =	simm.s32 $0x480;
	[sflag:s4] =	ssyncadd.s32 $0xFFFFC000  }
0x159: {  	[tilespmem:s5], [sflag:$0x2] =	stream.indirect.gather [hbm4b:s12+s7], $0x80, s11, s7, $0xb8;
	[tilespmem:$0x9000] =	vst v63  }
0x15a: {  	_ =	swait.ge [sflag:s9], $0x4000  }
0x15b: {  	[sflag:s9] =	ssyncset.done $0x0  }
0x15c: {  	s11 =	rddreg [dreg:$0xd];
	[sflag:s9] =	ssyncadd.s32 $0xFFFFC000  }
0x15d: {  	[hbm4b:s11+s2] =	stream.linear.scatter [tilespmem:s6], [sflag:$0x3], $0x4000, $0x38;
	[tilespmem:$0x9000] =	vst v63  }
0x15e: {  	_ =	swait.ge [sflag:s4], $0x4000  }
0x15f: {  	[sflag:s4] =	ssyncset.done $0x0  }
0x160: {  	[sflag:s4] =	ssyncadd.s32 $0xFFFFC000  }
0x161: {  	[tilespmem:s6], [sflag:$0x1] =	stream.indirect.gather [hbm4b:s12+s7], $0x80, s30, s7, $0xb8;
	[tilespmem:$0x9000] =	vst v63  }
0x162: {  	_ =	swait.ge [sflag:s8], $0x4000  }
0x163: {  	[sflag:s8] =	ssyncset.done $0x0  }
0x164: {  	s11 =	rddreg [dreg:$0xe];
	[sflag:s8] =	ssyncadd.s32 $0xFFFFC000  }
0x165: {  	[hbm4b:s11+s2] =	stream.linear.scatter [tilespmem:s5], [sflag:$0x3], $0x4000, $0x38;
	[tilespmem:$0x9000] =	vst v63  }
0x166: {  	_ =	swait.ge [sflag:s4], $0x4000  }
0x167: {  	[sflag:s4] =	ssyncset.done $0x0  }
0x168: {  	[sflag:s4] =	ssyncadd.s32 $0xFFFFC000  }
0x169: {  	[tilespmem:s5], [sflag:$0x2] =	stream.indirect.gather [hbm4b:s12+s7], $0x80, s28, s7, $0xb8;
	[tilespmem:$0x9000] =	vst v63  }
0x16a: {  	_ =	swait.ge [sflag:s9], $0x4000  }
0x16b: {  	[sflag:s9] =	ssyncset.done $0x0  }
0x16c: {  	s11 =	rddreg [dreg:$0xf];
	[sflag:s9] =	ssyncadd.s32 $0xFFFFC000  }
0x16d: {  	[hbm4b:s11+s2] =	stream.linear.scatter [tilespmem:s6], [sflag:$0x3], $0x4000, $0x38;
	[tilespmem:$0x9000] =	vst v63  }
0x16e: {  	_ =	swait.ge [sflag:s4], $0x4000  }
0x16f: {  	[sflag:s4] =	ssyncset.done $0x0  }
0x170: {  	[sflag:s4] =	ssyncadd.s32 $0xFFFFC000  }
0x171: {  	[tilespmem:s6], [sflag:$0x1] =	stream.indirect.gather [hbm4b:s12+s7], $0x80, s25, s7, $0xb8;
	[tilespmem:$0x9000] =	vst v63  }
0x172: {  	_ =	swait.ge [sflag:s8], $0x4000  }
0x173: {  	[sflag:s8] =	ssyncset.done $0x0  }
0x174: {  	s11 =	rddreg [dreg:$0x10];
	[sflag:s8] =	ssyncadd.s32 $0xFFFFC000  }
0x175: {  	[hbm4b:s11+s2] =	stream.linear.scatter [tilespmem:s5], [sflag:$0x3], $0x4000, $0x38;
	[tilespmem:$0x9000] =	vst v63  }
0x176: {  	_ =	swait.ge [sflag:s4], $0x4000  }
0x177: {  	[sflag:s4] =	ssyncset.done $0x0  }
0x178: {  	[sflag:s4] =	ssyncadd.s32 $0xFFFFC000  }
0x179: {  	[tilespmem:s5], [sflag:$0x2] =	stream.indirect.gather [hbm4b:s3+s7], $0x80, s24, s7, $0xb8;
	[tilespmem:$0x9000] =	vst v63  }
0x17a: {  	_ =	swait.ge [sflag:s9], $0x4000  }
0x17b: {  	[sflag:s9] =	ssyncset.done $0x0  }
0x17c: {  	s11 =	rddreg [dreg:$0x11];
	[sflag:s9] =	ssyncadd.s32 $0xFFFFC000  }
0x17d: {  	[hbm4b:s11+s2] =	stream.linear.scatter [tilespmem:s6], [sflag:$0x3], $0x4000, $0x38;
	[tilespmem:$0x9000] =	vst v63  }
0x17e: {  	_ =	swait.ge [sflag:s4], $0x4000  }
0x17f: {  	[sflag:s4] =	ssyncset.done $0x0  }
0x180: {  	[sflag:s4] =	ssyncadd.s32 $0xFFFFC000  }
0x181: {  	[tilespmem:s6], [sflag:$0x1] =	stream.indirect.gather [hbm4b:s3+s7], $0x80, s23, s7, $0xb8;
	[tilespmem:$0x9000] =	vst v63  }
0x182: {  	_ =	swait.ge [sflag:s8], $0x4000  }
0x183: {  	[sflag:s8] =	ssyncset.done $0x0  }
0x184: {  	s11 =	rddreg [dreg:$0x12];
	[sflag:s8] =	ssyncadd.s32 $0xFFFFC000  }
0x185: {  	[hbm4b:s11+s2] =	stream.linear.scatter [tilespmem:s5], [sflag:$0x3], $0x4000, $0x38;
	[tilespmem:$0x9000] =	vst v63  }
0x186: {  	_ =	swait.ge [sflag:s4], $0x4000  }
0x187: {  	[sflag:s4] =	ssyncset.done $0x0  }
0x188: {  	[sflag:s4] =	ssyncadd.s32 $0xFFFFC000  }
0x189: {  	[tilespmem:s5], [sflag:$0x2] =	stream.indirect.gather [hbm4b:s3+s7], $0x80, s22, s7, $0xb8;
	[tilespmem:$0x9000] =	vst v63  }
0x18a: {  	_ =	swait.ge [sflag:s9], $0x4000  }
0x18b: {  	[sflag:s9] =	ssyncset.done $0x0  }
0x18c: {  	s11 =	rddreg [dreg:$0x13];
	[sflag:s9] =	ssyncadd.s32 $0xFFFFC000  }
0x18d: {  	[hbm4b:s11+s2] =	stream.linear.scatter [tilespmem:s6], [sflag:$0x3], $0x4000, $0x38;
	[tilespmem:$0x9000] =	vst v63  }
0x18e: {  	_ =	swait.ge [sflag:s4], $0x4000  }
0x18f: {  	[sflag:s4] =	ssyncset.done $0x0  }
0x190: {  	[sflag:s4] =	ssyncadd.s32 $0xFFFFC000  }
0x191: {  	[tilespmem:s6], [sflag:$0x1] =	stream.indirect.gather [hbm4b:s3+s7], $0x80, s21, s7, $0xb8;
	[tilespmem:$0x9000] =	vst v63  }
0x192: {  	_ =	swait.ge [sflag:s8], $0x4000  }
0x193: {  	[sflag:s8] =	ssyncset.done $0x0  }
0x194: {  	s11 =	rddreg [dreg:$0x14];
	[sflag:s8] =	ssyncadd.s32 $0xFFFFC000  }
0x195: {  	[hbm4b:s11+s2] =	stream.linear.scatter [tilespmem:s5], [sflag:$0x3], $0x4000, $0x38;
	[tilespmem:$0x9000] =	vst v63  }
0x196: {  	_ =	swait.ge [sflag:s4], $0x4000  }
0x197: {  	[sflag:s4] =	ssyncset.done $0x0  }
0x198: {  	[sflag:s4] =	ssyncadd.s32 $0xFFFFC000  }
0x199: {  	[tilespmem:s5], [sflag:$0x2] =	stream.indirect.gather [hbm4b:s3+s7], $0x80, s20, s7, $0xb8;
	[tilespmem:$0x9000] =	vst v63  }
0x19a: {  	_ =	swait.ge [sflag:s9], $0x4000  }
0x19b: {  	[sflag:s9] =	ssyncset.done $0x0  }
0x19c: {  	s11 =	rddreg [dreg:$0x15];
	[sflag:s9] =	ssyncadd.s32 $0xFFFFC000  }
0x19d: {  	[hbm4b:s11+s2] =	stream.linear.scatter [tilespmem:s6], [sflag:$0x3], $0x4000, $0x38;
	[tilespmem:$0x9000] =	vst v63  }
0x19e: {  	_ =	swait.ge [sflag:s4], $0x4000  }
0x19f: {  	[sflag:s4] =	ssyncset.done $0x0  }
0x1a0: {  	[sflag:s4] =	ssyncadd.s32 $0xFFFFC000  }
0x1a1: {  	[tilespmem:s6], [sflag:$0x1] =	stream.indirect.gather [hbm4b:s3+s7], $0x80, s19, s7, $0xb8;
	[tilespmem:$0x9000] =	vst v63  }
0x1a2: {  	_ =	swait.ge [sflag:s8], $0x4000  }
0x1a3: {  	[sflag:s8] =	ssyncset.done $0x0  }
0x1a4: {  	s11 =	rddreg [dreg:$0x16];
	[sflag:s8] =	ssyncadd.s32 $0xFFFFC000  }
0x1a5: {  	[hbm4b:s11+s2] =	stream.linear.scatter [tilespmem:s5], [sflag:$0x3], $0x4000, $0x38;
	[tilespmem:$0x9000] =	vst v63  }
0x1a6: {  	_ =	swait.ge [sflag:s4], $0x4000  }
0x1a7: {  	[sflag:s4] =	ssyncset.done $0x0  }
0x1a8: {  	[sflag:s4] =	ssyncadd.s32 $0xFFFFC000  }
0x1a9: {  	[tilespmem:s5], [sflag:$0x2] =	stream.indirect.gather [hbm4b:s3+s7], $0x80, s18, s7, $0xb8;
	[tilespmem:$0x9000] =	vst v63  }
0x1aa: {  	_ =	swait.ge [sflag:s9], $0x4000  }
0x1ab: {  	[sflag:s9] =	ssyncset.done $0x0  }
0x1ac: {  	s11 =	rddreg [dreg:$0x17];
	[sflag:s9] =	ssyncadd.s32 $0xFFFFC000  }
0x1ad: {  	[hbm4b:s11+s2] =	stream.linear.scatter [tilespmem:s6], [sflag:$0x3], $0x4000, $0x38;
	[tilespmem:$0x9000] =	vst v63  }
0x1ae: {  	_ =	swait.ge [sflag:s4], $0x4000  }
0x1af: {  	[sflag:s4] =	ssyncset.done $0x0  }
0x1b0: {  	[sflag:s4] =	ssyncadd.s32 $0xFFFFC000  }
0x1b1: {  	[tilespmem:s6], [sflag:$0x1] =	stream.indirect.gather [hbm4b:s3+s7], $0x80, s17, s7, $0xb8;
	[tilespmem:$0x9000] =	vst v63  }
0x1b2: {  	_ =	swait.ge [sflag:s8], $0x4000  }
0x1b3: {  	[sflag:s8] =	ssyncset.done $0x0  }
0x1b4: {  	s11 =	rddreg [dreg:$0x18];
	[sflag:s8] =	ssyncadd.s32 $0xFFFFC000  }
0x1b5: {  	[hbm4b:s11+s2] =	stream.linear.scatter [tilespmem:s5], [sflag:$0x3], $0x4000, $0x38;
	[tilespmem:$0x9000] =	vst v63  }
0x1b6: {  	_ =	swait.ge [sflag:s4], $0x4000  }
0x1b7: {  	[sflag:s4] =	ssyncset.done $0x0  }
0x1b8: {  	[sflag:s4] =	ssyncadd.s32 $0xFFFFC000  }
0x1b9: {  	[tilespmem:s5], [sflag:$0x2] =	stream.indirect.gather [hbm4b:s3+s7], $0x80, s16, s7, $0xb8;
	[tilespmem:$0x9000] =	vst v63  }
0x1ba: {  	_ =	swait.ge [sflag:s9], $0x4000  }
0x1bb: {  	[sflag:s9] =	ssyncset.done $0x0  }
0x1bc: {  	s11 =	rddreg [dreg:$0x19];
	[sflag:s9] =	ssyncadd.s32 $0xFFFFC000  }
0x1bd: {  	[hbm4b:s11+s2] =	stream.linear.scatter [tilespmem:s6], [sflag:$0x3], $0x4000, $0x38;
	[tilespmem:$0x9000] =	vst v63  }
0x1be: {  	_ =	swait.ge [sflag:s4], $0x4000  }
0x1bf: {  	[sflag:s4] =	ssyncset.done $0x0  }
0x1c0: {  	[sflag:s4] =	ssyncadd.s32 $0xFFFFC000  }
0x1c1: {  	[tilespmem:s6], [sflag:$0x1] =	stream.indirect.gather [hbm4b:s3+s7], $0x80, s15, s7, $0xb8;
	[tilespmem:$0x9000] =	vst v63  }
0x1c2: {  	_ =	swait.ge [sflag:s8], $0x4000  }
0x1c3: {  	[sflag:s8] =	ssyncset.done $0x0  }
0x1c4: {  	s11 =	rddreg [dreg:$0x1a];
	[sflag:s8] =	ssyncadd.s32 $0xFFFFC000  }
0x1c5: {  	[hbm4b:s11+s2] =	stream.linear.scatter [tilespmem:s5], [sflag:$0x3], $0x4000, $0x38;
	[tilespmem:$0x9000] =	vst v63  }
0x1c6: {  	_ =	swait.ge [sflag:s4], $0x4000  }
0x1c7: {  	[sflag:s4] =	ssyncset.done $0x0  }
0x1c8: {  	[sflag:s4] =	ssyncadd.s32 $0xFFFFC000  }
0x1c9: {  	[tilespmem:s5], [sflag:$0x2] =	stream.indirect.gather [hbm4b:s3+s7], $0x80, s14, s7, $0xb8;
	[tilespmem:$0x9000] =	vst v63  }
0x1ca: {  	_ =	swait.ge [sflag:s9], $0x4000  }
0x1cb: {  	[sflag:s9] =	ssyncset.done $0x0  }
0x1cc: {  	s11 =	rddreg [dreg:$0x1b];
	[sflag:s9] =	ssyncadd.s32 $0xFFFFC000  }
0x1cd: {  	[hbm4b:s11+s2] =	stream.linear.scatter [tilespmem:s6], [sflag:$0x3], $0x4000, $0x38;
	[tilespmem:$0x9000] =	vst v63  }
0x1ce: {  	_ =	swait.ge [sflag:s4], $0x4000  }
0x1cf: {  	[sflag:s4] =	ssyncset.done $0x0  }
0x1d0: {  	[sflag:s4] =	ssyncadd.s32 $0xFFFFC000  }
0x1d1: {  	[tilespmem:s6], [sflag:$0x1] =	stream.indirect.gather [hbm4b:s3+s7], $0x80, s10, s7, $0xb8;
	[tilespmem:$0x9000] =	vst v63  }
0x1d2: {  	_ =	swait.ge [sflag:s8], $0x4000  }
0x1d3: {  	[sflag:s8] =	ssyncset.done $0x0  }
0x1d4: {  	s11 =	rddreg [dreg:$0x1c];
	[sflag:s8] =	ssyncadd.s32 $0xFFFFC000  }
0x1d5: {  	[hbm4b:s11+s2] =	stream.linear.scatter [tilespmem:s5], [sflag:$0x3], $0x4000, $0x38;
	[tilespmem:$0x9000] =	vst v63  }
0x1d6: {  	_ =	swait.ge [sflag:s4], $0x4000  }
0x1d7: {  	[sflag:s4] =	ssyncset.done $0x0  }
0x1d8: {  	[sflag:s4] =	ssyncadd.s32 $0xFFFFC000  }
0x1d9: {  	[tilespmem:s5], [sflag:$0x2] =	stream.indirect.gather [hbm4b:s3+s7], $0x80, s13, s7, $0xb8;
	[tilespmem:$0x9000] =	vst v63  }
0x1da: {  	_ =	swait.ge [sflag:s9], $0x4000  }
0x1db: {  	[sflag:s9] =	ssyncset.done $0x0  }
0x1dc: {  	s11 =	rddreg [dreg:$0x1d];
	[sflag:s9] =	ssyncadd.s32 $0xFFFFC000  }
0x1dd: {  	[hbm4b:s11+s2] =	stream.linear.scatter [tilespmem:s6], [sflag:$0x3], $0x4000, $0x38;
	[tilespmem:$0x9000] =	vst v63  }
0x1de: {  	_ =	swait.ge [sflag:s4], $0x4000  }
0x1df: {  	[sflag:s4] =	ssyncset.done $0x0  }
0x1e0: {  	[sflag:s4] =	ssyncadd.s32 $0xFFFFC000  }
0x1e1: {  	p1 =	sne.s32 s1, $0x1;
	_ =	swait.ge [sflag:s8], $0x4000  }
.Ltmp2:
0x1e2: {  	[sflag:s8] =	ssyncset.done $0x0;
	(pc) =	sbr.rel @p1 .LBB2_4-.Ltmp2, $4  }
0x1e3: {  	s11 =	rddreg [dreg:$0x1e];
	[sflag:s8] =	ssyncadd.s32 $0xFFFFC000  }
0x1e4: {  	[hbm4b:s11+s2] =	stream.linear.scatter [tilespmem:s5], [sflag:$0x3], $0x4000, $0x38;
	[tilespmem:$0x9000] =	vst v63  }
0x1e5: {  	_ =	swait.ge [sflag:s4], $0x4000  }
0x1e6: {  	s1 =	sadd.s32 $0xFFFFFFFF, s1;
	s0 =	rddreg [dreg:$0x1f];
	[sflag:s4] =	ssyncset.done $0x0  }
0x1e7: {  	s13 =	simm.s32 $0x480  }
0x1e8: {  	s30 =	simm.s32 $0x500;
	s28 =	simm.s32 $0x580;
	s25 =	simm.s32 $0x600  }
0x1e9: {  	s24 =	simm.s32 $0x680;
	s23 =	simm.s32 $0x700;
	s22 =	simm.s32 $0x780  }
0x1ea: {  	s21 =	simm.s32 $0x800;
	s20 =	simm.s32 $0x880;
	s19 =	simm.s32 $0x900  }
0x1eb: {  	s18 =	simm.s32 $0x980;
	s17 =	simm.s32 $0xA00;
	s16 =	simm.s32 $0xA80  }
0x1ec: {  	s15 =	simm.s32 $0xB00;
	s14 =	simm.s32 $0xB80;
	s11 =	stileid.u32  }
.LBB2_6:
0x1ed: {  	[sflag:s4] =	ssyncadd.s32 @p0 $0xFFFFC000  }
0x1ee: {  	[tilespmem:s2], [sflag:$0x3] =	stream.strided.gather [hbm4b:s31+s26], $0xC00, s0, s26, $0x38;
	[tilespmem:$0x9000] =	vst v63  }
0x1ef: {  	s1 =	rddreg [dreg:$0x5]  }
0x1f0: {  	[tilespmem:s10], [sflag:$0x3] =	stream.linear.gather [hbm4b:s1+s2], $0x100, $0x38;
	[tilespmem:$0x9000] =	vst v63  }
0x1f1: {  	_ =	swait.ge [sflag:s4], $0xD00  }
0x1f2: {  	[sflag:s4] =	ssyncset.done $0x0  }
0x1f3: {  	[sflag:s4] =	ssyncadd.s32 $0xFFFFF300  }
0x1f4: {  	[tilespmem:s6], [sflag:$0x1] =	stream.indirect.gather [hbm4b:s12+s7], $0x80, s2, s7, $0xb8;
	[tilespmem:$0x9000] =	vst v63  }
0x1f5: {  	_ = 	snop  }
0x1f6: {  	[tilespmem:s5], [sflag:$0x2] =	stream.indirect.gather [hbm4b:s12+s7], $0x80, s7, s7, $0xb8;
	[tilespmem:$0x9000] =	vst v63  }
0x1f7: {  	_ =	swait.ge [sflag:s9], $0x4000  }
0x1f8: {  	[sflag:s9] =	ssyncset.done $0x0  }
0x1f9: {  	[sflag:s9] =	ssyncadd.s32 $0xFFFFC000  }
0x1fa: {  	[hbm4b:s29+s2] =	stream.linear.scatter [tilespmem:s6], [sflag:$0x3], $0x4000, $0x38;
	[tilespmem:$0x9000] =	vst v63  }
0x1fb: {  	_ =	swait.ge [sflag:s4], $0x4000  }
0x1fc: {  	s1 =	sld [smem:$0x7F8]  }
0x1fd: {  	[sflag:s4] =	ssyncset.done $0x0  }
0x1fe: {  	[sflag:s4] =	ssyncadd.s32 $0xFFFFC000  }
0x1ff: {  	[tilespmem:s6], [sflag:$0x1] =	stream.indirect.gather [hbm4b:s12+s7], $0x80, s1, s7, $0xb8;
	[tilespmem:$0x9000] =	vst v63  }
0x200: {  	_ =	swait.ge [sflag:s8], $0x4000  }
0x201: {  	[sflag:s8] =	ssyncset.done $0x0  }
0x202: {  	s29 =	rddreg [dreg:$0x6];
	[sflag:s8] =	ssyncadd.s32 $0xFFFFC000  }
0x203: {  	[hbm4b:s29+s2] =	stream.linear.scatter [tilespmem:s5], [sflag:$0x3], $0x4000, $0x38;
	[tilespmem:$0x9000] =	vst v63  }
0x204: {  	_ =	swait.ge [sflag:s4], $0x4000  }
0x205: {  	s31 =	sld [smem:$0x7F9]  }
0x206: {  	[sflag:s4] =	ssyncset.done $0x0  }
0x207: {  	[sflag:s4] =	ssyncadd.s32 $0xFFFFC000  }
0x208: {  	[tilespmem:s5], [sflag:$0x2] =	stream.indirect.gather [hbm4b:s12+s7], $0x80, s31, s7, $0xb8;
	[tilespmem:$0x9000] =	vst v63  }
0x209: {  	_ =	swait.ge [sflag:s9], $0x4000  }
0x20a: {  	[sflag:s9] =	ssyncset.done $0x0  }
0x20b: {  	s1 =	rddreg [dreg:$0x7];
	[sflag:s9] =	ssyncadd.s32 $0xFFFFC000  }
0x20c: {  	[hbm4b:s1+s2] =	stream.linear.scatter [tilespmem:s6], [sflag:$0x3], $0x4000, $0x38;
	[tilespmem:$0x9000] =	vst v63  }
0x20d: {  	_ =	swait.ge [sflag:s4], $0x4000  }
0x20e: {  	s29 =	sld [smem:$0x7FA]  }
0x20f: {  	[sflag:s4] =	ssyncset.done $0x0  }
0x210: {  	[sflag:s4] =	ssyncadd.s32 $0xFFFFC000  }
0x211: {  	[tilespmem:s6], [sflag:$0x1] =	stream.indirect.gather [hbm4b:s12+s7], $0x80, s29, s7, $0xb8;
	[tilespmem:$0x9000] =	vst v63  }
0x212: {  	_ =	swait.ge [sflag:s8], $0x4000  }
0x213: {  	[sflag:s8] =	ssyncset.done $0x0  }
0x214: {  	s31 =	rddreg [dreg:$0x8];
	[sflag:s8] =	ssyncadd.s32 $0xFFFFC000  }
0x215: {  	[hbm4b:s31+s2] =	stream.linear.scatter [tilespmem:s5], [sflag:$0x3], $0x4000, $0x38;
	[tilespmem:$0x9000] =	vst v63  }
0x216: {  	_ =	swait.ge [sflag:s4], $0x4000  }
0x217: {  	s1 =	sld [smem:$0x7FB]  }
0x218: {  	[sflag:s4] =	ssyncset.done $0x0  }
0x219: {  	[sflag:s4] =	ssyncadd.s32 $0xFFFFC000  }
0x21a: {  	[tilespmem:s5], [sflag:$0x2] =	stream.indirect.gather [hbm4b:s12+s7], $0x80, s1, s7, $0xb8;
	[tilespmem:$0x9000] =	vst v63  }
0x21b: {  	_ =	swait.ge [sflag:s9], $0x4000  }
0x21c: {  	[sflag:s9] =	ssyncset.done $0x0  }
0x21d: {  	s29 =	rddreg [dreg:$0x9];
	[sflag:s9] =	ssyncadd.s32 $0xFFFFC000  }
0x21e: {  	[hbm4b:s29+s2] =	stream.linear.scatter [tilespmem:s6], [sflag:$0x3], $0x4000, $0x38;
	[tilespmem:$0x9000] =	vst v63  }
0x21f: {  	_ =	swait.ge [sflag:s4], $0x4000  }
0x220: {  	s31 =	sld [smem:$0x7FC]  }
0x221: {  	[sflag:s4] =	ssyncset.done $0x0  }
0x222: {  	[sflag:s4] =	ssyncadd.s32 $0xFFFFC000  }
0x223: {  	[tilespmem:s6], [sflag:$0x1] =	stream.indirect.gather [hbm4b:s12+s7], $0x80, s31, s7, $0xb8;
	[tilespmem:$0x9000] =	vst v63  }
0x224: {  	_ =	swait.ge [sflag:s8], $0x4000  }
0x225: {  	[sflag:s8] =	ssyncset.done $0x0  }
0x226: {  	s1 =	rddreg [dreg:$0xa];
	[sflag:s8] =	ssyncadd.s32 $0xFFFFC000  }
0x227: {  	[hbm4b:s1+s2] =	stream.linear.scatter [tilespmem:s5], [sflag:$0x3], $0x4000, $0x38;
	[tilespmem:$0x9000] =	vst v63  }
0x228: {  	_ =	swait.ge [sflag:s4], $0x4000  }
0x229: {  	s29 =	sld [smem:$0x7FD]  }
0x22a: {  	[sflag:s4] =	ssyncset.done $0x0  }
0x22b: {  	[sflag:s4] =	ssyncadd.s32 $0xFFFFC000  }
0x22c: {  	[tilespmem:s5], [sflag:$0x2] =	stream.indirect.gather [hbm4b:s12+s7], $0x80, s29, s7, $0xb8;
	[tilespmem:$0x9000] =	vst v63  }
0x22d: {  	_ =	swait.ge [sflag:s9], $0x4000  }
0x22e: {  	[sflag:s9] =	ssyncset.done $0x0  }
0x22f: {  	s31 =	rddreg [dreg:$0xb];
	[sflag:s9] =	ssyncadd.s32 $0xFFFFC000  }
0x230: {  	[hbm4b:s31+s2] =	stream.linear.scatter [tilespmem:s6], [sflag:$0x3], $0x4000, $0x38;
	[tilespmem:$0x9000] =	vst v63  }
0x231: {  	_ =	swait.ge [sflag:s4], $0x4000  }
0x232: {  	[sflag:s4] =	ssyncset.done $0x0  }
0x233: {  	[sflag:s4] =	ssyncadd.s32 $0xFFFFC000  }
0x234: {  	[tilespmem:s6], [sflag:$0x1] =	stream.indirect.gather [hbm4b:s12+s7], $0x80, s26, s7, $0xb8;
	[tilespmem:$0x9000] =	vst v63  }
0x235: {  	_ =	swait.ge [sflag:s8], $0x4000  }
0x236: {  	[sflag:s8] =	ssyncset.done $0x0  }
0x237: {  	s1 =	rddreg [dreg:$0xc];
	[sflag:s8] =	ssyncadd.s32 $0xFFFFC000  }
0x238: {  	[hbm4b:s1+s2] =	stream.linear.scatter [tilespmem:s5], [sflag:$0x3], $0x4000, $0x38;
	[tilespmem:$0x9000] =	vst v63  }
0x239: {  	_ =	swait.ge [sflag:s4], $0x4000  }
0x23a: {  	[sflag:s4] =	ssyncset.done $0x0  }
0x23b: {  	[sflag:s4] =	ssyncadd.s32 $0xFFFFC000  }
0x23c: {  	[tilespmem:s5], [sflag:$0x2] =	stream.indirect.gather [hbm4b:s12+s7], $0x80, s13, s7, $0xb8;
	[tilespmem:$0x9000] =	vst v63  }
0x23d: {  	_ =	swait.ge [sflag:s9], $0x4000  }
0x23e: {  	[sflag:s9] =	ssyncset.done $0x0  }
0x23f: {  	s13 =	rddreg [dreg:$0xd];
	[sflag:s9] =	ssyncadd.s32 $0xFFFFC000  }
0x240: {  	[hbm4b:s13+s2] =	stream.linear.scatter [tilespmem:s6], [sflag:$0x3], $0x4000, $0x38;
	[tilespmem:$0x9000] =	vst v63  }
0x241: {  	_ =	swait.ge [sflag:s4], $0x4000  }
0x242: {  	[sflag:s4] =	ssyncset.done $0x0  }
0x243: {  	[sflag:s4] =	ssyncadd.s32 $0xFFFFC000  }
0x244: {  	[tilespmem:s6], [sflag:$0x1] =	stream.indirect.gather [hbm4b:s12+s7], $0x80, s30, s7, $0xb8;
	[tilespmem:$0x9000] =	vst v63  }
0x245: {  	_ =	swait.ge [sflag:s8], $0x4000  }
0x246: {  	[sflag:s8] =	ssyncset.done $0x0  }
0x247: {  	s26 =	rddreg [dreg:$0xe];
	[sflag:s8] =	ssyncadd.s32 $0xFFFFC000  }
0x248: {  	[hbm4b:s26+s2] =	stream.linear.scatter [tilespmem:s5], [sflag:$0x3], $0x4000, $0x38;
	[tilespmem:$0x9000] =	vst v63  }
0x249: {  	_ =	swait.ge [sflag:s4], $0x4000  }
0x24a: {  	[sflag:s4] =	ssyncset.done $0x0  }
0x24b: {  	[sflag:s4] =	ssyncadd.s32 $0xFFFFC000  }
0x24c: {  	[tilespmem:s5], [sflag:$0x2] =	stream.indirect.gather [hbm4b:s12+s7], $0x80, s28, s7, $0xb8;
	[tilespmem:$0x9000] =	vst v63  }
0x24d: {  	_ =	swait.ge [sflag:s9], $0x4000  }
0x24e: {  	[sflag:s9] =	ssyncset.done $0x0  }
0x24f: {  	s29 =	rddreg [dreg:$0xf];
	[sflag:s9] =	ssyncadd.s32 $0xFFFFC000  }
0x250: {  	[hbm4b:s29+s2] =	stream.linear.scatter [tilespmem:s6], [sflag:$0x3], $0x4000, $0x38;
	[tilespmem:$0x9000] =	vst v63  }
0x251: {  	_ =	swait.ge [sflag:s4], $0x4000  }
0x252: {  	[sflag:s4] =	ssyncset.done $0x0  }
0x253: {  	[sflag:s4] =	ssyncadd.s32 $0xFFFFC000  }
0x254: {  	[tilespmem:s6], [sflag:$0x1] =	stream.indirect.gather [hbm4b:s12+s7], $0x80, s25, s7, $0xb8;
	[tilespmem:$0x9000] =	vst v63  }
0x255: {  	_ =	swait.ge [sflag:s8], $0x4000  }
0x256: {  	[sflag:s8] =	ssyncset.done $0x0  }
0x257: {  	s30 =	rddreg [dreg:$0x10];
	[sflag:s8] =	ssyncadd.s32 $0xFFFFC000  }
0x258: {  	[hbm4b:s30+s2] =	stream.linear.scatter [tilespmem:s5], [sflag:$0x3], $0x4000, $0x38;
	[tilespmem:$0x9000] =	vst v63  }
0x259: {  	_ =	swait.ge [sflag:s4], $0x4000  }
0x25a: {  	[sflag:s4] =	ssyncset.done $0x0  }
0x25b: {  	[sflag:s4] =	ssyncadd.s32 $0xFFFFC000  }
0x25c: {  	[tilespmem:s5], [sflag:$0x2] =	stream.indirect.gather [hbm4b:s3+s7], $0x80, s24, s7, $0xb8;
	[tilespmem:$0x9000] =	vst v63  }
0x25d: {  	_ =	swait.ge [sflag:s9], $0x4000  }
0x25e: {  	[sflag:s9] =	ssyncset.done $0x0  }
0x25f: {  	s31 =	rddreg [dreg:$0x11];
	[sflag:s9] =	ssyncadd.s32 $0xFFFFC000  }
0x260: {  	[hbm4b:s31+s2] =	stream.linear.scatter [tilespmem:s6], [sflag:$0x3], $0x4000, $0x38;
	[tilespmem:$0x9000] =	vst v63  }
0x261: {  	_ =	swait.ge [sflag:s4], $0x4000  }
0x262: {  	[sflag:s4] =	ssyncset.done $0x0  }
0x263: {  	[sflag:s4] =	ssyncadd.s32 $0xFFFFC000  }
0x264: {  	[tilespmem:s6], [sflag:$0x1] =	stream.indirect.gather [hbm4b:s3+s7], $0x80, s23, s7, $0xb8;
	[tilespmem:$0x9000] =	vst v63  }
0x265: {  	_ =	swait.ge [sflag:s8], $0x4000  }
0x266: {  	[sflag:s8] =	ssyncset.done $0x0  }
0x267: {  	s1 =	rddreg [dreg:$0x12];
	[sflag:s8] =	ssyncadd.s32 $0xFFFFC000  }
0x268: {  	[hbm4b:s1+s2] =	stream.linear.scatter [tilespmem:s5], [sflag:$0x3], $0x4000, $0x38;
	[tilespmem:$0x9000] =	vst v63  }
0x269: {  	_ =	swait.ge [sflag:s4], $0x4000  }
0x26a: {  	[sflag:s4] =	ssyncset.done $0x0  }
0x26b: {  	[sflag:s4] =	ssyncadd.s32 $0xFFFFC000  }
0x26c: {  	[tilespmem:s5], [sflag:$0x2] =	stream.indirect.gather [hbm4b:s3+s7], $0x80, s22, s7, $0xb8;
	[tilespmem:$0x9000] =	vst v63  }
0x26d: {  	_ =	swait.ge [sflag:s9], $0x4000  }
0x26e: {  	[sflag:s9] =	ssyncset.done $0x0  }
0x26f: {  	s12 =	rddreg [dreg:$0x13];
	[sflag:s9] =	ssyncadd.s32 $0xFFFFC000  }
0x270: {  	[hbm4b:s12+s2] =	stream.linear.scatter [tilespmem:s6], [sflag:$0x3], $0x4000, $0x38;
	[tilespmem:$0x9000] =	vst v63  }
0x271: {  	_ =	swait.ge [sflag:s4], $0x4000  }
0x272: {  	[sflag:s4] =	ssyncset.done $0x0  }
0x273: {  	[sflag:s4] =	ssyncadd.s32 $0xFFFFC000  }
0x274: {  	[tilespmem:s6], [sflag:$0x1] =	stream.indirect.gather [hbm4b:s3+s7], $0x80, s21, s7, $0xb8;
	[tilespmem:$0x9000] =	vst v63  }
0x275: {  	_ =	swait.ge [sflag:s8], $0x4000  }
0x276: {  	[sflag:s8] =	ssyncset.done $0x0  }
0x277: {  	s13 =	rddreg [dreg:$0x14];
	[sflag:s8] =	ssyncadd.s32 $0xFFFFC000  }
0x278: {  	[hbm4b:s13+s2] =	stream.linear.scatter [tilespmem:s5], [sflag:$0x3], $0x4000, $0x38;
	[tilespmem:$0x9000] =	vst v63  }
0x279: {  	_ =	swait.ge [sflag:s4], $0x4000  }
0x27a: {  	[sflag:s4] =	ssyncset.done $0x0  }
0x27b: {  	[sflag:s4] =	ssyncadd.s32 $0xFFFFC000  }
0x27c: {  	[tilespmem:s5], [sflag:$0x2] =	stream.indirect.gather [hbm4b:s3+s7], $0x80, s20, s7, $0xb8;
	[tilespmem:$0x9000] =	vst v63  }
0x27d: {  	_ =	swait.ge [sflag:s9], $0x4000  }
0x27e: {  	[sflag:s9] =	ssyncset.done $0x0  }
0x27f: {  	s20 =	rddreg [dreg:$0x15];
	[sflag:s9] =	ssyncadd.s32 $0xFFFFC000  }
0x280: {  	[hbm4b:s20+s2] =	stream.linear.scatter [tilespmem:s6], [sflag:$0x3], $0x4000, $0x38;
	[tilespmem:$0x9000] =	vst v63  }
0x281: {  	_ =	swait.ge [sflag:s4], $0x4000  }
0x282: {  	[sflag:s4] =	ssyncset.done $0x0  }
0x283: {  	[sflag:s4] =	ssyncadd.s32 $0xFFFFC000  }
0x284: {  	[tilespmem:s6], [sflag:$0x1] =	stream.indirect.gather [hbm4b:s3+s7], $0x80, s19, s7, $0xb8;
	[tilespmem:$0x9000] =	vst v63  }
0x285: {  	_ =	swait.ge [sflag:s8], $0x4000  }
0x286: {  	[sflag:s8] =	ssyncset.done $0x0  }
0x287: {  	s21 =	rddreg [dreg:$0x16];
	[sflag:s8] =	ssyncadd.s32 $0xFFFFC000  }
0x288: {  	[hbm4b:s21+s2] =	stream.linear.scatter [tilespmem:s5], [sflag:$0x3], $0x4000, $0x38;
	[tilespmem:$0x9000] =	vst v63  }
0x289: {  	_ =	swait.ge [sflag:s4], $0x4000  }
0x28a: {  	[sflag:s4] =	ssyncset.done $0x0  }
0x28b: {  	[sflag:s4] =	ssyncadd.s32 $0xFFFFC000  }
0x28c: {  	[tilespmem:s5], [sflag:$0x2] =	stream.indirect.gather [hbm4b:s3+s7], $0x80, s18, s7, $0xb8;
	[tilespmem:$0x9000] =	vst v63  }
0x28d: {  	_ =	swait.ge [sflag:s9], $0x4000  }
0x28e: {  	[sflag:s9] =	ssyncset.done $0x0  }
0x28f: {  	s22 =	rddreg [dreg:$0x17];
	[sflag:s9] =	ssyncadd.s32 $0xFFFFC000  }
0x290: {  	[hbm4b:s22+s2] =	stream.linear.scatter [tilespmem:s6], [sflag:$0x3], $0x4000, $0x38;
	[tilespmem:$0x9000] =	vst v63  }
0x291: {  	_ =	swait.ge [sflag:s4], $0x4000  }
0x292: {  	[sflag:s4] =	ssyncset.done $0x0  }
0x293: {  	[sflag:s4] =	ssyncadd.s32 $0xFFFFC000  }
0x294: {  	[tilespmem:s6], [sflag:$0x1] =	stream.indirect.gather [hbm4b:s3+s7], $0x80, s17, s7, $0xb8;
	[tilespmem:$0x9000] =	vst v63  }
0x295: {  	_ =	swait.ge [sflag:s8], $0x4000  }
0x296: {  	[sflag:s8] =	ssyncset.done $0x0  }
0x297: {  	s23 =	rddreg [dreg:$0x18];
	[sflag:s8] =	ssyncadd.s32 $0xFFFFC000  }
0x298: {  	[hbm4b:s23+s2] =	stream.linear.scatter [tilespmem:s5], [sflag:$0x3], $0x4000, $0x38;
	[tilespmem:$0x9000] =	vst v63  }
0x299: {  	_ =	swait.ge [sflag:s4], $0x4000  }
0x29a: {  	[sflag:s4] =	ssyncset.done $0x0  }
0x29b: {  	[sflag:s4] =	ssyncadd.s32 $0xFFFFC000  }
0x29c: {  	[tilespmem:s5], [sflag:$0x2] =	stream.indirect.gather [hbm4b:s3+s7], $0x80, s16, s7, $0xb8;
	[tilespmem:$0x9000] =	vst v63  }
0x29d: {  	_ =	swait.ge [sflag:s9], $0x4000  }
0x29e: {  	[sflag:s9] =	ssyncset.done $0x0  }
0x29f: {  	s24 =	rddreg [dreg:$0x19];
	[sflag:s9] =	ssyncadd.s32 $0xFFFFC000  }
0x2a0: {  	[hbm4b:s24+s2] =	stream.linear.scatter [tilespmem:s6], [sflag:$0x3], $0x4000, $0x38;
	[tilespmem:$0x9000] =	vst v63  }
0x2a1: {  	_ =	swait.ge [sflag:s4], $0x4000  }
0x2a2: {  	[sflag:s4] =	ssyncset.done $0x0  }
0x2a3: {  	[sflag:s4] =	ssyncadd.s32 $0xFFFFC000  }
0x2a4: {  	[tilespmem:s6], [sflag:$0x1] =	stream.indirect.gather [hbm4b:s3+s7], $0x80, s15, s7, $0xb8;
	[tilespmem:$0x9000] =	vst v63  }
0x2a5: {  	_ =	swait.ge [sflag:s8], $0x4000  }
0x2a6: {  	[sflag:s8] =	ssyncset.done $0x0  }
0x2a7: {  	s25 =	rddreg [dreg:$0x1a];
	[sflag:s8] =	ssyncadd.s32 $0xFFFFC000  }
0x2a8: {  	[hbm4b:s25+s2] =	stream.linear.scatter [tilespmem:s5], [sflag:$0x3], $0x4000, $0x38;
	[tilespmem:$0x9000] =	vst v63  }
0x2a9: {  	_ =	swait.ge [sflag:s4], $0x4000  }
0x2aa: {  	[sflag:s4] =	ssyncset.done $0x0  }
0x2ab: {  	[sflag:s4] =	ssyncadd.s32 $0xFFFFC000  }
0x2ac: {  	[tilespmem:s5], [sflag:$0x2] =	stream.indirect.gather [hbm4b:s3+s7], $0x80, s14, s7, $0xb8;
	[tilespmem:$0x9000] =	vst v63  }
0x2ad: {  	_ =	swait.ge [sflag:s9], $0x4000  }
0x2ae: {  	[sflag:s9] =	ssyncset.done $0x0  }
0x2af: {  	s26 =	rddreg [dreg:$0x1b];
	[sflag:s9] =	ssyncadd.s32 $0xFFFFC000  }
0x2b0: {  	[hbm4b:s26+s2] =	stream.linear.scatter [tilespmem:s6], [sflag:$0x3], $0x4000, $0x38;
	[tilespmem:$0x9000] =	vst v63  }
0x2b1: {  	_ =	swait.ge [sflag:s4], $0x4000  }
0x2b2: {  	[sflag:s4] =	ssyncset.done $0x0  }
0x2b3: {  	[sflag:s4] =	ssyncadd.s32 $0xFFFFC000  }
0x2b4: {  	[tilespmem:s6], [sflag:$0x1] =	stream.indirect.gather [hbm4b:s3+s7], $0x80, s10, s7, $0xb8;
	[tilespmem:$0x9000] =	vst v63  }
0x2b5: {  	_ =	swait.ge [sflag:s8], $0x4000  }
0x2b6: {  	[sflag:s8] =	ssyncset.done $0x0  }
0x2b7: {  	s28 =	rddreg [dreg:$0x1c];
	[sflag:s8] =	ssyncadd.s32 $0xFFFFC000  }
0x2b8: {  	[hbm4b:s28+s2] =	stream.linear.scatter [tilespmem:s5], [sflag:$0x3], $0x4000, $0x38;
	[tilespmem:$0x9000] =	vst v63  }
0x2b9: {  	_ =	swait.ge [sflag:s4], $0x4000  }
0x2ba: {  	[sflag:s4] =	ssyncset.done $0x0  }
0x2bb: {  	s29 =	simm.s32 $0xC80;
	[sflag:s4] =	ssyncadd.s32 $0xFFFFC000  }
0x2bc: {  	[tilespmem:s5], [sflag:$0x2] =	stream.indirect.gather [hbm4b:s3+s7], $0x80, s29, s7, $0xb8;
	[tilespmem:$0x9000] =	vst v63  }
0x2bd: {  	_ =	swait.ge [sflag:s9], $0x4000  }
0x2be: {  	[sflag:s9] =	ssyncset.done $0x0  }
0x2bf: {  	s30 =	rddreg [dreg:$0x1d];
	[sflag:s9] =	ssyncadd.s32 $0xFFFFC000  }
0x2c0: {  	[hbm4b:s30+s2] =	stream.linear.scatter [tilespmem:s6], [sflag:$0x3], $0x4000, $0x38;
	[tilespmem:$0x9000] =	vst v63  }
0x2c1: {  	_ =	swait.ge [sflag:s4], $0x4000  }
0x2c2: {  	[sflag:s4] =	ssyncset.done $0x0  }
0x2c3: {  	[sflag:s4] =	ssyncadd.s32 $0xFFFFC000  }
0x2c4: {  	_ =	swait.ge [sflag:s8], $0x4000  }
0x2c5: {  	[sflag:s8] =	ssyncset.done $0x0  }
0x2c6: {  	s31 =	rddreg [dreg:$0x1e];
	[sflag:s8] =	ssyncadd.s32 $0xFFFFC000  }
0x2c7: {  	[hbm4b:s31+s2] =	stream.linear.scatter [tilespmem:s5], [sflag:$0x3], $0x4000, $0x38;
	[tilespmem:$0x9000] =	vst v63  }
0x2c8: {  	_ =	swait.ge [sflag:s4], $0x4000  }
0x2c9: {  	[sflag:s4] =	ssyncset.done $0x0  }
0x2ca: {  	[sflag:s4] =	ssyncadd.s32 $0xFFFFC000  }
0x2cb: {  	_ =	sfence.sel $0x180000  }
0x2cc: {  	[bflag:$0x0] =	sbarrier.arrive $0xFFFF  }
0x2cd: {  	_ =	strace $0x90000047  }
0x2ce: {  	[bflag:$0x2] =	sbarrier.arrive $0xFFFF  }
0x2cf: {  	p0 =	sne.s32 s11, $0x0;
	s0 =	rddreg [dreg:$0x4]  }
0x2d0: {  	s0 =	sadd.s32 @!p0 $0x100000, s0  }
0x2d1: {  	[sflag:s0] =	ssyncadd.tile.s32 @!p0 $0x1;
	_ =	shalt  }
.LBB2_1:
0x2d2: {  	s13 =	simm.s32 $0x480  }
.Ltmp3:
0x2d3: {  	s30 =	simm.s32 $0x500;
	s28 =	simm.s32 $0x580;
	(pc) =	sbr.rel .LBB2_6-.Ltmp3, $4  }
0x2d4: {  	s25 =	simm.s32 $0x600;
	s24 =	simm.s32 $0x680;
	s23 =	simm.s32 $0x700  }
0x2d5: {  	s22 =	simm.s32 $0x780;
	s21 =	simm.s32 $0x800;
	s20 =	simm.s32 $0x880  }
0x2d6: {  	s19 =	simm.s32 $0x900;
	s18 =	simm.s32 $0x980;
	s17 =	simm.s32 $0xA00  }
0x2d7: {  	s16 =	simm.s32 $0xA80;
	s15 =	simm.s32 $0xB00;
	s14 =	simm.s32 $0xB80  }
.LBB2_3:
0x2d8: {  	s13 =	simm.s32 $0x480;
	s30 =	simm.s32 $0x500  }
.Ltmp4:
0x2d9: {  	s28 =	simm.s32 $0x580;
	s25 =	simm.s32 $0x600;
	(pc) =	sbr.rel .LBB2_6-.Ltmp4, $4  }
0x2da: {  	s24 =	simm.s32 $0x680;
	s23 =	simm.s32 $0x700;
	s22 =	simm.s32 $0x780  }
0x2db: {  	s21 =	simm.s32 $0x800;
	s20 =	simm.s32 $0x880;
	s19 =	simm.s32 $0x900  }
0x2dc: {  	s18 =	simm.s32 $0x980;
	s17 =	simm.s32 $0xA00;
	s16 =	simm.s32 $0xA80  }
0x2dd: {  	s15 =	simm.s32 $0xB00;
	s14 =	simm.s32 $0xB80;
	s11 =	stileid.u32  }
.Lfunc_end2:
_tile_overlayer_lowered:
.L_overlay_start_2:
0x2de: {  	(tag) =	ssettag $0x2  }
0x2df: {  	s0 =	rddreg [dreg:$0x0];
	s2 =	stileid.u32  }
0x2e0: {  	s1 =	rddreg [dreg:$0x1];
	p0 =	sne.s32 s2, $0x0  }
0x2e1: {  	s3 =	rddreg [dreg:$0x2];
	[bflag:$0x3] =	sbarrier.arrive $0xFFFF;
	s2 =	simm.s32 @!p0 $0x1C03  }
0x2e2: {  	[timem:s3], [sflag:s2] =	dma.local @!p0 [hbm:s0], s1  }
0x2e3: {  	s0 =	simm.s32 @!p0 $0x3  }
0x2e4: {  	_ =	swait.ge @!p0 [sflag:s0], s1  }
0x2e5: {  	s1 =	ssub.s32 @!p0 $0x0, s1;
	[sflag:s0] =	ssyncset.done @!p0 $0x0  }
0x2e6: {  	[sflag:s0] =	ssyncadd.s32 @!p0 s1  }
0x2e7: {  	[bflag:$0x3] =	sbarrier.arrive $0xFFFF  }
0x2e8: {  	_ =	shalt  }

</sc_bundles>
